<compile_context>
chip_gen: v7x
topology: tpu7x:2x2x1
jax: 0.10.2.dev20260603
libtpu: 0.0.44.dev20260713+nightly
codegen_flags: <defaults>
</compile_context>

<pallas_src>
import math
import functools

import jax
import jax.numpy as jnp
import numpy as np
from jax import lax
from jax.experimental import pallas as pl
from jax.experimental.pallas import tpu as pltpu
from jax.experimental.pallas import tpu_sc as plsc

_B, _T, _D = 2, 2048, 1024
_H = 16
_R = 256
_TA = _T // 2
_HD = _D // _H
_NEG_INF = float("-inf")



def _match_body(xa_ref, xb_ref, merged_ref, tmask_ref, srcodd_ref, sim_ref,
                rmax_ref, used_ref):
    lane = lax.broadcasted_iota(jnp.int32, (1, _TA), 1)
    big = jnp.int32(1 << 30)

    for b in range(_B):
        xa = xa_ref[b]
        xb = xb_ref[b]
        an = xa / jnp.maximum(
            jnp.sqrt(jnp.sum(xa * xa, axis=-1, keepdims=True)), 1e-12)
        bn = xb / jnp.maximum(
            jnp.sqrt(jnp.sum(xb * xb, axis=-1, keepdims=True)), 1e-12)
        sim = jax.lax.dot_general(
            an, bn, dimension_numbers=(((1,), (1,)), ((), ())),
            preferred_element_type=jnp.float32)
        sim_ref[b] = sim
        rmax_ref[b] = jnp.max(sim.T, axis=0, keepdims=True)
        used_ref[b] = jnp.zeros((1, _TA), jnp.float32)
        srcodd_ref[b] = lane + jnp.int32(_TA)

    def one_batch(bi, step):
        rmax = rmax_ref[bi]
        m = jnp.max(rmax)
        a_star = jnp.min(jnp.where(rmax == m, lane, big))
        row = sim_ref[bi, pl.ds(a_star, 1), :]
        used_b = used_ref[bi]
        bv = jnp.where(used_b > 0, _NEG_INF, row)
        nm = jnp.max(bv)
        b_star = jnp.min(jnp.where(bv == nm, lane, big))
        accept = (nm == m) & (step < _R)
        rmax_ref[bi] = jnp.where(
            lane == a_star, jnp.where(accept, _NEG_INF, nm), rmax)
        used_ref[bi] = jnp.where((lane == b_star) & accept, 1.0, used_b)
        srcodd_ref[bi] = jnp.where(
            (lane == b_star) & accept, a_star, srcodd_ref[bi])
        return step + accept.astype(jnp.int32)

    def cond(carry):
        return (carry[0] < _R) | (carry[1] < _R)

    def body(carry):
        return tuple(one_batch(bi, carry[bi]) for bi in range(_B))

    lax.while_loop(cond, body, (jnp.int32(0), jnp.int32(0)))

    arow = lax.broadcasted_iota(jnp.int32, (_TA, _TA), 0)
    for b in range(_B):
        used_b = used_ref[b]
        tmask_ref[b, :, pl.ds(0, _TA)] = jnp.zeros((1, _TA), jnp.float32)
        tmask_ref[b, :, pl.ds(_TA, _TA)] = jnp.where(used_b > 0, _NEG_INF, 0.0)
        src_o = srcodd_ref[b]
        pair = ((arow == src_o) & (src_o < _TA)).astype(jnp.float32)
        xa = xa_ref[b]
        xb = xb_ref[b]
        pxb = jax.lax.dot_general(pair, xb, (((1,), (0,)), ((), ())),
                                  preferred_element_type=jnp.float32)
        amask = jnp.sum(pair, axis=1, keepdims=True)
        merged_a = xa * (1.0 - 0.5 * amask) + 0.5 * pxb
        merged_ref[b, pl.ds(0, _TA), :] = merged_a
        merged_ref[b, pl.ds(_TA, _TA), :] = xb


def _match_pallas(x_a, x_b):
    Bb = x_a.shape[0]
    return pl.pallas_call(
        _match_body,
        in_specs=[
            pl.BlockSpec((Bb, _TA, _D), lambda: (0, 0, 0)),
            pl.BlockSpec((Bb, _TA, _D), lambda: (0, 0, 0)),
        ],
        out_specs=[
            pl.BlockSpec((Bb, _T, _D), lambda: (0, 0, 0)),
            pl.BlockSpec((Bb, 1, _T), lambda: (0, 0, 0)),
            pl.BlockSpec((Bb, 1, _TA), lambda: (0, 0, 0)),
        ],
        out_shape=[
            jax.ShapeDtypeStruct((Bb, _T, _D), jnp.float32),
            jax.ShapeDtypeStruct((Bb, 1, _T), jnp.float32),
            jax.ShapeDtypeStruct((Bb, 1, _TA), jnp.int32),
        ],
        scratch_shapes=[
            pltpu.VMEM((Bb, _TA, _TA), jnp.float32),
            pltpu.VMEM((Bb, 1, _TA), jnp.float32),
            pltpu.VMEM((Bb, 1, _TA), jnp.float32),
        ],
    )(x_a, x_b)



def _qkv_body(m_ref, w_ref, out_ref):
    m = m_ref[0].astype(jnp.bfloat16)
    w = w_ref[0]
    qkv = jax.lax.dot_general(m, w, (((1,), (1,)), ((), ())),
                              preferred_element_type=jnp.float32)
    out_ref[0, :, :] = qkv.astype(jnp.bfloat16)


def _qkv_pallas(merged, w_cat):
    Bb = merged.shape[0]
    return pl.pallas_call(
        _qkv_body,
        grid=(Bb, 3),
        in_specs=[
            pl.BlockSpec((1, _T, _D), lambda b, j: (b, 0, 0)),
            pl.BlockSpec((1, _D, _D), lambda b, j: (j, 0, 0)),
        ],
        out_specs=pl.BlockSpec((1, _T, _D), lambda b, j: (b, 0, j)),
        out_shape=jax.ShapeDtypeStruct((Bb, _T, 3 * _D), jnp.bfloat16),
    )(merged, w_cat)



_QT = 512


def _attn_body(q_ref, k_ref, v_ref, tmask_ref, out_ref):
    q2 = q_ref[0, 0]
    k2 = k_ref[0, 0]
    v2 = v_ref[0, 0]
    mask = tmask_ref[0]
    scale = 1.0 / math.sqrt(_HD)
    dims = (((1,), (1,)), ((), ()))
    for i in range(_T // _QT):
        qi = q2[i * _QT:(i + 1) * _QT]
        s = jax.lax.dot_general(qi, k2, dims,
                                preferred_element_type=jnp.float32)
        s = s * scale + mask
        s = s - jnp.max(s, axis=-1, keepdims=True)
        p = jnp.exp(s)
        denom = jnp.sum(p, axis=-1, keepdims=True)
        o = jax.lax.dot_general(p.astype(jnp.bfloat16), v2,
                                (((1,), (0,)), ((), ())),
                                preferred_element_type=jnp.float32)
        o = o * (1.0 / denom)
        out_ref[0, 0, i * _QT:(i + 1) * _QT, :] = o.astype(jnp.bfloat16)


def _attn_pallas(qh, kh, vh, tmask):
    Bb = qh.shape[0]
    return pl.pallas_call(
        _attn_body,
        grid=(Bb, _H),
        in_specs=[
            pl.BlockSpec((1, 1, _T, _HD), lambda b, h: (b, h, 0, 0)),
            pl.BlockSpec((1, 1, _T, _HD), lambda b, h: (b, h, 0, 0)),
            pl.BlockSpec((1, 1, _T, _HD), lambda b, h: (b, h, 0, 0)),
            pl.BlockSpec((1, 1, _T), lambda b, h: (b, 0, 0)),
        ],
        out_specs=pl.BlockSpec((1, 1, _T, _HD), lambda b, h: (b, h, 0, 0)),
        out_shape=jax.ShapeDtypeStruct((Bb, _H, _T, _HD), jnp.bfloat16),
    )(qh, kh, vh, tmask)



def _oproj_body(o_ref, w_ref, out_ref):
    o = o_ref[0]
    w = w_ref[...].astype(jnp.bfloat16)
    out_ref[0] = jax.lax.dot_general(o, w, (((1,), (1,)), ((), ())),
                                     preferred_element_type=jnp.float32)


def _oproj_pallas(o_cat, Wo):
    Bb = o_cat.shape[0]
    return pl.pallas_call(
        _oproj_body,
        grid=(Bb,),
        in_specs=[
            pl.BlockSpec((1, _T, _D), lambda b: (b, 0, 0)),
            pl.BlockSpec((_D, _D), lambda b: (0, 0)),
        ],
        out_specs=pl.BlockSpec((1, _T, _D), lambda b: (b, 0, 0)),
        out_shape=jax.ShapeDtypeStruct((Bb, _T, _D), jnp.float32),
    )(o_cat, Wo)



_SC_CHUNK = 64


def _unmerge_sc(attn2, srcodd2):
    info = plsc.get_sparse_core_info()
    nc, ns = info.num_cores, info.num_subcores
    nw = nc * ns
    mesh = plsc.VectorSubcoreMesh(core_axis_name="c", subcore_axis_name="s")
    n_rows = attn2.shape[0]
    t_per_w = (_B * _TA) // nw

    @functools.partial(
        pl.kernel, mesh=mesh,
        out_type=jax.ShapeDtypeStruct((n_rows, _D), jnp.float32),
        scratch_types=[
            pltpu.VMEM((_SC_CHUNK,), jnp.int32),
            pltpu.VMEM((_SC_CHUNK,), jnp.int32),
            pltpu.VMEM((_SC_CHUNK, _D), jnp.float32),
            pltpu.SemaphoreType.DMA,
        ],
    )
    def k(attn_hbm, srcodd_hbm, out_hbm, idx_v, dest_v, rows_v, sem):
        wid = lax.axis_index("s") * nc + lax.axis_index("c")
        t0 = wid * t_per_w
        b = t0 // _TA
        bt0 = t0 - b * _TA
        iota = lax.iota(jnp.int32, 16)
        for c0 in range(0, t_per_w, _SC_CHUNK):
            pltpu.sync_copy(attn_hbm.at[pl.ds(b * _T + bt0 + c0, _SC_CHUNK)],
                            rows_v)
            for j in range(_SC_CHUNK // 16):
                dest_v[pl.ds(j * 16, 16)] = (
                    b * _T + 2 * (bt0 + c0 + j * 16 + iota))
            pltpu.async_copy(rows_v, out_hbm.at[dest_v], sem).wait()
            pltpu.sync_copy(srcodd_hbm.at[pl.ds(t0 + c0, _SC_CHUNK)], idx_v)
            for j in range(_SC_CHUNK // 16):
                idx_v[pl.ds(j * 16, 16)] = (
                    idx_v[pl.ds(j * 16, 16)] + b * _T)
                dest_v[pl.ds(j * 16, 16)] = (
                    b * _T + 2 * (bt0 + c0 + j * 16 + iota) + 1)
            pltpu.async_copy(attn_hbm.at[idx_v], rows_v, sem).wait()
            pltpu.async_copy(rows_v, out_hbm.at[dest_v], sem).wait()

    return k(attn2, srcodd2)


def kernel(x, Wq, Wk, Wv, Wo):
    Bb, Tt, Dd = x.shape
    x_a = x[:, 0::2, :]
    x_b = x[:, 1::2, :]
    merged_full, tmask, src_odd = _match_pallas(x_a, x_b)
    w_cat = jnp.stack([Wq, Wk, Wv], axis=0).astype(jnp.bfloat16)
    qkv = _qkv_pallas(merged_full, w_cat)
    qkv_h = qkv.reshape(Bb, Tt, 3, _H, _HD).transpose(0, 2, 3, 1, 4)
    oh = _attn_pallas(qkv_h[:, 0], qkv_h[:, 1], qkv_h[:, 2],
                      tmask)
    o_cat = oh.transpose(0, 2, 1, 3).reshape(Bb, Tt, Dd)
    attn_out = _oproj_pallas(o_cat, Wo)
    out2 = _unmerge_sc(attn_out.reshape(Bb * Tt, Dd),
                       src_odd.reshape(Bb * _TA))
    return out2.reshape(Bb, Tt, Dd)

# --- scband reference (transcript-rebuilt; emitter-appended) ---
"""Pipeline reference for scband-to-me-attention-35974646071452 (READ-ONLY COPY).

The authoritative reference and input builder live on the scoring server;
editing this copy changes nothing except your own understanding.
"""

import math
import jax, jax.numpy as jnp
import numpy as np
from jax import lax

B, T, D = 2, 2048, 1024
H = 16
R = 256


def _match(x, r):
    Bb, Tt, Dd = x.shape
    x_a = x[:, 0::2, :]
    x_b = x[:, 1::2, :]
    T_a = x_a.shape[1]
    T_b = x_b.shape[1]
    a_n = x_a / jnp.maximum(jnp.linalg.norm(x_a, axis=-1, keepdims=True), 1e-12)
    b_n = x_b / jnp.maximum(jnp.linalg.norm(x_b, axis=-1, keepdims=True), 1e-12)
    sim = jnp.einsum('bad,bcd->bac', a_n, b_n)
    batch_ar = jnp.arange(Bb)

    def step(carry, _):
        used_a, used_b = carry
        masked = jnp.where(used_a[:, :, None] | used_b[:, None, :], -jnp.inf, sim)
        flat = masked.reshape(Bb, T_a * T_b)
        idx = jnp.argmax(flat, axis=1)
        ai = idx // T_b
        bi = idx % T_b
        used_a = used_a.at[batch_ar, ai].set(True)
        used_b = used_b.at[batch_ar, bi].set(True)
        return (used_a, used_b), (ai, bi)

    init = (jnp.zeros((Bb, T_a), dtype=bool), jnp.zeros((Bb, T_b), dtype=bool))
    _, (a_seq, b_seq) = lax.scan(step, init, None, length=r)
    a_idx = a_seq.T
    b_idx = b_seq.T
    counts = jnp.ones((Bb, Tt), dtype=x.dtype)
    counts = counts.at[batch_ar[:, None], a_idx * 2].set(2.0)
    counts = counts.at[batch_ar[:, None], b_idx * 2 + 1].set(2.0)
    unmerge_weights = (1.0 / counts)[..., None]
    return a_idx, b_idx, unmerge_weights


def _forward(x, Wq, Wk, Wv, Wo, r, n_heads):
    Bb, Tt, Dd = x.shape
    r = min(r, Tt // 2)
    # indices are non-differentiable (torch uses .item()), so stop gradients through matching
    a_idx, b_idx, unmerge_weights = _match(lax.stop_gradient(x), r)
    x_a = x[:, 0::2, :]
    x_b = x[:, 1::2, :]
    T_a = x_a.shape[1]
    T_b = x_b.shape[1]
    batch_ar = jnp.arange(Bb)
    # merge
    matched_a = jnp.take_along_axis(x_a, a_idx[:, :, None], axis=1)
    matched_b = jnp.take_along_axis(x_b, b_idx[:, :, None], axis=1)
    merged = (matched_a + matched_b) * 0.5
    x_a_mod = x_a.at[batch_ar[:, None], a_idx].set(merged)
    keep = jnp.ones((Bb, T_b), dtype=bool).at[batch_ar[:, None], b_idx].set(False)
    kept_idx = jnp.argsort(jnp.where(keep, 0, 1), axis=1)[:, :T_b - r]
    unmatched_b = jnp.take_along_axis(x_b, kept_idx[:, :, None], axis=1)
    merged_x = jnp.concatenate([x_a_mod, unmatched_b], axis=1)
    # attention on merged sequence
    Bm, Tm, _ = merged_x.shape
    hd = Dd // n_heads
    q = (merged_x @ Wq.T).reshape(Bm, Tm, n_heads, hd).transpose(0, 2, 1, 3)
    k = (merged_x @ Wk.T).reshape(Bm, Tm, n_heads, hd).transpose(0, 2, 1, 3)
    v = (merged_x @ Wv.T).reshape(Bm, Tm, n_heads, hd).transpose(0, 2, 1, 3)
    attn = jax.nn.softmax((q @ k.transpose(0, 1, 3, 2)) / math.sqrt(hd), axis=-1)
    out = (attn @ v).transpose(0, 2, 1, 3).reshape(Bm, Tm, Dd)
    attn_out = out @ Wo.T
    # unmerge back to original length
    x_a_out = attn_out[:, :T_a, :]
    un_b = attn_out[:, T_a:, :]
    x_b_res = jnp.zeros((Bb, T_b, Dd), dtype=attn_out.dtype)
    x_b_res = x_b_res.at[batch_ar[:, None], kept_idx].set(un_b)
    merged_vals = jnp.take_along_axis(x_a_out, a_idx[:, :, None], axis=1)
    x_b_res = x_b_res.at[batch_ar[:, None], b_idx].set(merged_vals)
    output = jnp.zeros((Bb, Tt, Dd), dtype=attn_out.dtype)
    output = output.at[:, 0::2, :].set(x_a_out)
    output = output.at[:, 1::2, :].set(x_b_res)
    return output


def setup_inputs(seed: int = 0) -> dict:
    key = jax.random.key(seed)
    k1, k2, k3, k4, k5 = jax.random.split(key, 5)
    x = jax.random.normal(k1, (B, T, D), dtype=jnp.float32)
    Wq = jax.random.normal(k2, (D, D), dtype=jnp.float32) * 0.02
    Wk = jax.random.normal(k3, (D, D), dtype=jnp.float32) * 0.02
    Wv = jax.random.normal(k4, (D, D), dtype=jnp.float32) * 0.02
    Wo = jax.random.normal(k5, (D, D), dtype=jnp.float32) * 0.02
    return {"x": x, "Wq": Wq, "Wk": Wk, "Wv": Wv, "Wo": Wo}


def reference(x, Wq, Wk, Wv, Wo):
    return _forward(x, Wq, Wk, Wv, Wo, R, H)

if __name__ == "__main__":
    import jax
    _d = setup_inputs()
    print(jax.jit(kernel)(*tuple(_d.values())))

</pallas_src>

<mosaic_0001>
#map = affine_map<(d0, d1) -> (0, 0)>
#map1 = affine_map<(d0, d1) -> (0)>
module attributes {stable_mosaic.version = 14 : i64} {
  func.func @k(%arg0: i32, %arg1: i32, %arg2: memref<4096x1024xf32, #tpu.memory_space<hbm>>, %arg3: memref<2048xi32, #tpu.memory_space<hbm>>, %arg4: memref<4096x1024xf32, #tpu.memory_space<hbm>>, %arg5: memref<64xi32, #tpu.memory_space<vmem>>, %arg6: memref<64xi32, #tpu.memory_space<vmem>>, %arg7: memref<64x1024xf32, #tpu.memory_space<vmem>>, %arg8: memref<!tpu.dma_semaphore, #tpu.memory_space<semaphore_mem>>) attributes {dimension_semantics = [#tpu.dimension_semantics<core_parallel>, #tpu.dimension_semantics<subcore_parallel>], iteration_bounds = array<i64: 2, 16>, scalar_prefetch = 0 : i64, scratch_operands = 4 : i64, tpu.core_type = #tpu.core_type<sc_vector_subcore>, window_params = [{transform_indices = #map}, {transform_indices = #map1}, {transform_indices = #map}]} {
    %mul3A = arith.constant 2 : i32
    %mul3A_0 = arith.muli %arg1, %mul3A : i32
    %add3A = arith.addi %mul3A_0, %arg0 : i32
    %mul3A_1 = arith.constant 64 : i32
    %mul3A_2 = arith.muli %add3A, %mul3A_1 : i32
    %jit3A = arith.constant 1024 : i32
    %div3A = arith.divsi %mul3A_2, %jit3A : i32
    %sign3A = arith.constant 0 : i32
    %sign3A_3 = arith.cmpi sgt, %mul3A_2, %sign3A : i32
    %sign3A_4 = arith.extui %sign3A_3 : i1 to i32
    %sign3A_5 = arith.constant 0 : i32
    %sign3A_6 = arith.cmpi slt, %mul3A_2, %sign3A_5 : i32
    %sign3A_7 = arith.extui %sign3A_6 : i1 to i32
    %sign3A_8 = arith.subi %sign3A_4, %sign3A_7 : i32
    %sign3A_9 = arith.constant 0 : i32
    %sign3A_10 = arith.cmpi sgt, %jit3A, %sign3A_9 : i32
    %sign3A_11 = arith.extui %sign3A_10 : i1 to i32
    %sign3A_12 = arith.constant 0 : i32
    %sign3A_13 = arith.cmpi slt, %jit3A, %sign3A_12 : i32
    %sign3A_14 = arith.extui %sign3A_13 : i1 to i32
    %sign3A_15 = arith.subi %sign3A_11, %sign3A_14 : i32
    %ne3A = arith.cmpi ne, %sign3A_8, %sign3A_15 : i32
    %rem3A = arith.remsi %mul3A_2, %jit3A : i32
    %ne3A_16 = arith.constant 0 : i32
    %ne3A_17 = arith.cmpi ne, %rem3A, %ne3A_16 : i32
    %and3A = arith.andi %ne3A, %ne3A_17 : i1
    %sub3A = arith.constant 1 : i32
    %sub3A_18 = arith.subi %div3A, %sub3A : i32
    %select_n3A = arith.select %and3A, %sub3A_18, %div3A : i32
    %mul3A_19 = arith.constant 1024 : i32
    %mul3A_20 = arith.muli %select_n3A, %mul3A_19 : i32
    %sub3A_21 = arith.subi %mul3A_2, %mul3A_20 : i32
    %iota3A = tpu.iota {dimensions = array<i32: 0>} : vector<16xi32>
    %mul3A_22 = arith.constant 2048 : i32
    %mul3A_23 = arith.muli %select_n3A, %mul3A_22 : i32
    %add3A_24 = arith.addi %mul3A_23, %sub3A_21 : i32
    %add3A_25 = arith.constant 0 : i32
    %add3A_26 = arith.addi %add3A_24, %add3A_25 : i32
    "tpu.region"() ({
      %run_scoped3A = tpu.sem_alloc : memref<!tpu.dma_semaphore, #tpu.memory_space<semaphore_mem>>
      %dma_start3A_235 = arith.constant 0 : i32
      %dma_start3A_236 = tpu.memref_slice %arg2[%add3A_26, %dma_start3A_235] : memref<4096x1024xf32, #tpu.memory_space<hbm>> -> memref<64x1024xf32, #tpu.memory_space<hbm>>
      %dma_start3A_237 = arith.constant 0 : i32
      %dma_start3A_238 = tpu.memref_slice %arg2[%add3A_26, %dma_start3A_237] : memref<4096x1024xf32, #tpu.memory_space<hbm>> -> memref<64x1024xf32, #tpu.memory_space<hbm>>
      tpu.enqueue_dma source(%dma_start3A_238 : memref<64x1024xf32, #tpu.memory_space<hbm>>) target(%arg7 : memref<64x1024xf32, #tpu.memory_space<vmem>>) target_semaphore(%run_scoped3A : memref<!tpu.dma_semaphore, #tpu.memory_space<semaphore_mem>>)
      %dma_wait3A_239 = arith.constant 0 : i32
      %dma_wait3A_240 = tpu.memref_slice %arg2[%add3A_26, %dma_wait3A_239] : memref<4096x1024xf32, #tpu.memory_space<hbm>> -> memref<64x1024xf32, #tpu.memory_space<hbm>>
      %dma_wait3A_241 = arith.constant 0 : i32
      %dma_wait3A_242 = tpu.memref_slice %arg2[%add3A_26, %dma_wait3A_241] : memref<4096x1024xf32, #tpu.memory_space<hbm>> -> memref<64x1024xf32, #tpu.memory_space<hbm>>
      tpu.wait_dma2 semaphore(%run_scoped3A : memref<!tpu.dma_semaphore, #tpu.memory_space<semaphore_mem>>) src(%dma_wait3A_242 : memref<64x1024xf32, #tpu.memory_space<hbm>>) dst(%arg7 : memref<64x1024xf32, #tpu.memory_space<vmem>>)
      tpu.yield
    }) : () -> ()
    %mul3A_27 = arith.constant 2048 : i32
    %mul3A_28 = arith.muli %select_n3A, %mul3A_27 : i32
    %add3A_29 = arith.constant 0 : i32
    %add3A_30 = arith.addi %sub3A_21, %add3A_29 : i32
    %add3A_31 = arith.constant 0 : i32
    %add3A_32 = arith.addi %add3A_30, %add3A_31 : i32
    %add3A_33 = vector.broadcast %add3A_32 : i32 to vector<16xi32>
    %add3A_34 = arith.addi %add3A_33, %iota3A : vector<16xi32>
    %mul3A_35 = arith.constant 2 : i32
    %mul3A_36 = vector.broadcast %mul3A_35 : i32 to vector<16xi32>
    %mul3A_37 = arith.muli %mul3A_36, %add3A_34 : vector<16xi32>
    %add3A_38 = vector.broadcast %mul3A_28 : i32 to vector<16xi32>
    %add3A_39 = arith.addi %add3A_38, %mul3A_37 : vector<16xi32>
    %swap3A = arith.constant 0 : index
    %swap3A_40 = tpu.vector_load %arg6[%swap3A] {strides = array<i32>} : memref<64xi32, #tpu.memory_space<vmem>>, vector<16xi32>,
    %swap3A_41 = vector.shape_cast %swap3A_40 : vector<16xi32> to vector<16xi32>
    %swap3A_42 = vector.shape_cast %add3A_39 : vector<16xi32> to vector<16xi32>
    tpu.vector_store %arg6[%swap3A], %swap3A_42 {strides = array<i32>} : memref<64xi32, #tpu.memory_space<vmem>>, vector<16xi32>,
    %mul3A_43 = arith.constant 2048 : i32
    %mul3A_44 = arith.muli %select_n3A, %mul3A_43 : i32
    %add3A_45 = arith.constant 0 : i32
    %add3A_46 = arith.addi %sub3A_21, %add3A_45 : i32
    %add3A_47 = arith.constant 16 : i32
    %add3A_48 = arith.addi %add3A_46, %add3A_47 : i32
    %add3A_49 = vector.broadcast %add3A_48 : i32 to vector<16xi32>
    %add3A_50 = arith.addi %add3A_49, %iota3A : vector<16xi32>
    %mul3A_51 = arith.constant 2 : i32
    %mul3A_52 = vector.broadcast %mul3A_51 : i32 to vector<16xi32>
    %mul3A_53 = arith.muli %mul3A_52, %add3A_50 : vector<16xi32>
    %add3A_54 = vector.broadcast %mul3A_44 : i32 to vector<16xi32>
    %add3A_55 = arith.addi %add3A_54, %mul3A_53 : vector<16xi32>
    %swap3A_56 = arith.constant 16 : index
    %swap3A_57 = tpu.vector_load %arg6[%swap3A_56] {strides = array<i32>} : memref<64xi32, #tpu.memory_space<vmem>>, vector<16xi32>,
    %swap3A_58 = vector.shape_cast %swap3A_57 : vector<16xi32> to vector<16xi32>
    %swap3A_59 = vector.shape_cast %add3A_55 : vector<16xi32> to vector<16xi32>
    tpu.vector_store %arg6[%swap3A_56], %swap3A_59 {strides = array<i32>} : memref<64xi32, #tpu.memory_space<vmem>>, vector<16xi32>,
    %mul3A_60 = arith.constant 2048 : i32
    %mul3A_61 = arith.muli %select_n3A, %mul3A_60 : i32
    %add3A_62 = arith.constant 0 : i32
    %add3A_63 = arith.addi %sub3A_21, %add3A_62 : i32
    %add3A_64 = arith.constant 32 : i32
    %add3A_65 = arith.addi %add3A_63, %add3A_64 : i32
    %add3A_66 = vector.broadcast %add3A_65 : i32 to vector<16xi32>
    %add3A_67 = arith.addi %add3A_66, %iota3A : vector<16xi32>
    %mul3A_68 = arith.constant 2 : i32
    %mul3A_69 = vector.broadcast %mul3A_68 : i32 to vector<16xi32>
    %mul3A_70 = arith.muli %mul3A_69, %add3A_67 : vector<16xi32>
    %add3A_71 = vector.broadcast %mul3A_61 : i32 to vector<16xi32>
    %add3A_72 = arith.addi %add3A_71, %mul3A_70 : vector<16xi32>
    %swap3A_73 = arith.constant 32 : index
    %swap3A_74 = tpu.vector_load %arg6[%swap3A_73] {strides = array<i32>} : memref<64xi32, #tpu.memory_space<vmem>>, vector<16xi32>,
    %swap3A_75 = vector.shape_cast %swap3A_74 : vector<16xi32> to vector<16xi32>
    %swap3A_76 = vector.shape_cast %add3A_72 : vector<16xi32> to vector<16xi32>
    tpu.vector_store %arg6[%swap3A_73], %swap3A_76 {strides = array<i32>} : memref<64xi32, #tpu.memory_space<vmem>>, vector<16xi32>,
    %mul3A_77 = arith.constant 2048 : i32
    %mul3A_78 = arith.muli %select_n3A, %mul3A_77 : i32
    %add3A_79 = arith.constant 0 : i32
    %add3A_80 = arith.addi %sub3A_21, %add3A_79 : i32
    %add3A_81 = arith.constant 48 : i32
    %add3A_82 = arith.addi %add3A_80, %add3A_81 : i32
    %add3A_83 = vector.broadcast %add3A_82 : i32 to vector<16xi32>
    %add3A_84 = arith.addi %add3A_83, %iota3A : vector<16xi32>
    %mul3A_85 = arith.constant 2 : i32
    %mul3A_86 = vector.broadcast %mul3A_85 : i32 to vector<16xi32>
    %mul3A_87 = arith.muli %mul3A_86, %add3A_84 : vector<16xi32>
    %add3A_88 = vector.broadcast %mul3A_78 : i32 to vector<16xi32>
    %add3A_89 = arith.addi %add3A_88, %mul3A_87 : vector<16xi32>
    %swap3A_90 = arith.constant 48 : index
    %swap3A_91 = tpu.vector_load %arg6[%swap3A_90] {strides = array<i32>} : memref<64xi32, #tpu.memory_space<vmem>>, vector<16xi32>,
    %swap3A_92 = vector.shape_cast %swap3A_91 : vector<16xi32> to vector<16xi32>
    %swap3A_93 = vector.shape_cast %add3A_89 : vector<16xi32> to vector<16xi32>
    tpu.vector_store %arg6[%swap3A_90], %swap3A_93 {strides = array<i32>} : memref<64xi32, #tpu.memory_space<vmem>>, vector<16xi32>,
    %dma_start3A = arith.constant 0 : i32
    %dma_start3A_94 = arith.constant 0 : i32
    %dma_start3A_95 = tpu.memref_slice %arg4[%dma_start3A, %dma_start3A_94] : memref<4096x1024xf32, #tpu.memory_space<hbm>> -> memref<4096x1024xf32, #tpu.memory_space<hbm>>
    tpu.enqueue_indirect_dma source(%arg7 : memref<64x1024xf32, #tpu.memory_space<vmem>>) target(%dma_start3A_95 : memref<4096x1024xf32, #tpu.memory_space<hbm>>) offsets(%arg6 : memref<64xi32, #tpu.memory_space<vmem>>) semaphore(%arg8 : memref<!tpu.dma_semaphore, #tpu.memory_space<semaphore_mem>>)
    %dma_wait3A = arith.constant 0 : i32
    %dma_wait3A_96 = arith.constant 0 : i32
    %dma_wait3A_97 = tpu.memref_slice %arg4[%dma_wait3A, %dma_wait3A_96] : memref<4096x1024xf32, #tpu.memory_space<hbm>> -> memref<4096x1024xf32, #tpu.memory_space<hbm>>
    tpu.wait_indirect_dma semaphore(%arg8 : memref<!tpu.dma_semaphore, #tpu.memory_space<semaphore_mem>>) src(%arg7 : memref<64x1024xf32, #tpu.memory_space<vmem>>) dst(%dma_wait3A_97 : memref<4096x1024xf32, #tpu.memory_space<hbm>>)
    %add3A_98 = arith.constant 0 : i32
    %add3A_99 = arith.addi %mul3A_2, %add3A_98 : i32
    "tpu.region"() ({
      %run_scoped3A = tpu.sem_alloc : memref<!tpu.dma_semaphore, #tpu.memory_space<semaphore_mem>>
      %dma_start3A_235 = tpu.memref_slice %arg3[%add3A_99] : memref<2048xi32, #tpu.memory_space<hbm>> -> memref<64xi32, #tpu.memory_space<hbm>>
      %dma_start3A_236 = tpu.memref_slice %arg3[%add3A_99] : memref<2048xi32, #tpu.memory_space<hbm>> -> memref<64xi32, #tpu.memory_space<hbm>>
      tpu.enqueue_dma source(%dma_start3A_236 : memref<64xi32, #tpu.memory_space<hbm>>) target(%arg5 : memref<64xi32, #tpu.memory_space<vmem>>) target_semaphore(%run_scoped3A : memref<!tpu.dma_semaphore, #tpu.memory_space<semaphore_mem>>)
      %dma_wait3A_237 = tpu.memref_slice %arg3[%add3A_99] : memref<2048xi32, #tpu.memory_space<hbm>> -> memref<64xi32, #tpu.memory_space<hbm>>
      %dma_wait3A_238 = tpu.memref_slice %arg3[%add3A_99] : memref<2048xi32, #tpu.memory_space<hbm>> -> memref<64xi32, #tpu.memory_space<hbm>>
      tpu.wait_dma2 semaphore(%run_scoped3A : memref<!tpu.dma_semaphore, #tpu.memory_space<semaphore_mem>>) src(%dma_wait3A_238 : memref<64xi32, #tpu.memory_space<hbm>>) dst(%arg5 : memref<64xi32, #tpu.memory_space<vmem>>)
      tpu.yield
    }) : () -> ()
    %get3A = arith.constant 0 : index
    %get3A_100 = tpu.vector_load %arg5[%get3A] {strides = array<i32>} : memref<64xi32, #tpu.memory_space<vmem>>, vector<16xi32>,
    %get3A_101 = vector.shape_cast %get3A_100 : vector<16xi32> to vector<16xi32>
    %mul3A_102 = arith.constant 2048 : i32
    %mul3A_103 = arith.muli %select_n3A, %mul3A_102 : i32
    %add3A_104 = vector.broadcast %mul3A_103 : i32 to vector<16xi32>
    %add3A_105 = arith.addi %get3A_101, %add3A_104 : vector<16xi32>
    %swap3A_106 = arith.constant 0 : index
    %swap3A_107 = tpu.vector_load %arg5[%swap3A_106] {strides = array<i32>} : memref<64xi32, #tpu.memory_space<vmem>>, vector<16xi32>,
    %swap3A_108 = vector.shape_cast %swap3A_107 : vector<16xi32> to vector<16xi32>
    %swap3A_109 = vector.shape_cast %add3A_105 : vector<16xi32> to vector<16xi32>
    tpu.vector_store %arg5[%swap3A_106], %swap3A_109 {strides = array<i32>} : memref<64xi32, #tpu.memory_space<vmem>>, vector<16xi32>,
    %mul3A_110 = arith.constant 2048 : i32
    %mul3A_111 = arith.muli %select_n3A, %mul3A_110 : i32
    %add3A_112 = arith.constant 0 : i32
    %add3A_113 = arith.addi %sub3A_21, %add3A_112 : i32
    %add3A_114 = arith.constant 0 : i32
    %add3A_115 = arith.addi %add3A_113, %add3A_114 : i32
    %add3A_116 = vector.broadcast %add3A_115 : i32 to vector<16xi32>
    %add3A_117 = arith.addi %add3A_116, %iota3A : vector<16xi32>
    %mul3A_118 = arith.constant 2 : i32
    %mul3A_119 = vector.broadcast %mul3A_118 : i32 to vector<16xi32>
    %mul3A_120 = arith.muli %mul3A_119, %add3A_117 : vector<16xi32>
    %add3A_121 = vector.broadcast %mul3A_111 : i32 to vector<16xi32>
    %add3A_122 = arith.addi %add3A_121, %mul3A_120 : vector<16xi32>
    %add3A_123 = arith.constant 1 : i32
    %add3A_124 = vector.broadcast %add3A_123 : i32 to vector<16xi32>
    %add3A_125 = arith.addi %add3A_122, %add3A_124 : vector<16xi32>
    %swap3A_126 = arith.constant 0 : index
    %swap3A_127 = tpu.vector_load %arg6[%swap3A_126] {strides = array<i32>} : memref<64xi32, #tpu.memory_space<vmem>>, vector<16xi32>,
    %swap3A_128 = vector.shape_cast %swap3A_127 : vector<16xi32> to vector<16xi32>
    %swap3A_129 = vector.shape_cast %add3A_125 : vector<16xi32> to vector<16xi32>
    tpu.vector_store %arg6[%swap3A_126], %swap3A_129 {strides = array<i32>} : memref<64xi32, #tpu.memory_space<vmem>>, vector<16xi32>,
    %get3A_130 = arith.constant 16 : index
    %get3A_131 = tpu.vector_load %arg5[%get3A_130] {strides = array<i32>} : memref<64xi32, #tpu.memory_space<vmem>>, vector<16xi32>,
    %get3A_132 = vector.shape_cast %get3A_131 : vector<16xi32> to vector<16xi32>
    %mul3A_133 = arith.constant 2048 : i32
    %mul3A_134 = arith.muli %select_n3A, %mul3A_133 : i32
    %add3A_135 = vector.broadcast %mul3A_134 : i32 to vector<16xi32>
    %add3A_136 = arith.addi %get3A_132, %add3A_135 : vector<16xi32>
    %swap3A_137 = arith.constant 16 : index
    %swap3A_138 = tpu.vector_load %arg5[%swap3A_137] {strides = array<i32>} : memref<64xi32, #tpu.memory_space<vmem>>, vector<16xi32>,
    %swap3A_139 = vector.shape_cast %swap3A_138 : vector<16xi32> to vector<16xi32>
    %swap3A_140 = vector.shape_cast %add3A_136 : vector<16xi32> to vector<16xi32>
    tpu.vector_store %arg5[%swap3A_137], %swap3A_140 {strides = array<i32>} : memref<64xi32, #tpu.memory_space<vmem>>, vector<16xi32>,
    %mul3A_141 = arith.constant 2048 : i32
    %mul3A_142 = arith.muli %select_n3A, %mul3A_141 : i32
    %add3A_143 = arith.constant 0 : i32
    %add3A_144 = arith.addi %sub3A_21, %add3A_143 : i32
    %add3A_145 = arith.constant 16 : i32
    %add3A_146 = arith.addi %add3A_144, %add3A_145 : i32
    %add3A_147 = vector.broadcast %add3A_146 : i32 to vector<16xi32>
    %add3A_148 = arith.addi %add3A_147, %iota3A : vector<16xi32>
    %mul3A_149 = arith.constant 2 : i32
    %mul3A_150 = vector.broadcast %mul3A_149 : i32 to vector<16xi32>
    %mul3A_151 = arith.muli %mul3A_150, %add3A_148 : vector<16xi32>
    %add3A_152 = vector.broadcast %mul3A_142 : i32 to vector<16xi32>
    %add3A_153 = arith.addi %add3A_152, %mul3A_151 : vector<16xi32>
    %add3A_154 = arith.constant 1 : i32
    %add3A_155 = vector.broadcast %add3A_154 : i32 to vector<16xi32>
    %add3A_156 = arith.addi %add3A_153, %add3A_155 : vector<16xi32>
    %swap3A_157 = arith.constant 16 : index
    %swap3A_158 = tpu.vector_load %arg6[%swap3A_157] {strides = array<i32>} : memref<64xi32, #tpu.memory_space<vmem>>, vector<16xi32>,
    %swap3A_159 = vector.shape_cast %swap3A_158 : vector<16xi32> to vector<16xi32>
    %swap3A_160 = vector.shape_cast %add3A_156 : vector<16xi32> to vector<16xi32>
    tpu.vector_store %arg6[%swap3A_157], %swap3A_160 {strides = array<i32>} : memref<64xi32, #tpu.memory_space<vmem>>, vector<16xi32>,
    %get3A_161 = arith.constant 32 : index
    %get3A_162 = tpu.vector_load %arg5[%get3A_161] {strides = array<i32>} : memref<64xi32, #tpu.memory_space<vmem>>, vector<16xi32>,
    %get3A_163 = vector.shape_cast %get3A_162 : vector<16xi32> to vector<16xi32>
    %mul3A_164 = arith.constant 2048 : i32
    %mul3A_165 = arith.muli %select_n3A, %mul3A_164 : i32
    %add3A_166 = vector.broadcast %mul3A_165 : i32 to vector<16xi32>
    %add3A_167 = arith.addi %get3A_163, %add3A_166 : vector<16xi32>
    %swap3A_168 = arith.constant 32 : index
    %swap3A_169 = tpu.vector_load %arg5[%swap3A_168] {strides = array<i32>} : memref<64xi32, #tpu.memory_space<vmem>>, vector<16xi32>,
    %swap3A_170 = vector.shape_cast %swap3A_169 : vector<16xi32> to vector<16xi32>
    %swap3A_171 = vector.shape_cast %add3A_167 : vector<16xi32> to vector<16xi32>
    tpu.vector_store %arg5[%swap3A_168], %swap3A_171 {strides = array<i32>} : memref<64xi32, #tpu.memory_space<vmem>>, vector<16xi32>,
    %mul3A_172 = arith.constant 2048 : i32
    %mul3A_173 = arith.muli %select_n3A, %mul3A_172 : i32
    %add3A_174 = arith.constant 0 : i32
    %add3A_175 = arith.addi %sub3A_21, %add3A_174 : i32
    %add3A_176 = arith.constant 32 : i32
    %add3A_177 = arith.addi %add3A_175, %add3A_176 : i32
    %add3A_178 = vector.broadcast %add3A_177 : i32 to vector<16xi32>
    %add3A_179 = arith.addi %add3A_178, %iota3A : vector<16xi32>
    %mul3A_180 = arith.constant 2 : i32
    %mul3A_181 = vector.broadcast %mul3A_180 : i32 to vector<16xi32>
    %mul3A_182 = arith.muli %mul3A_181, %add3A_179 : vector<16xi32>
    %add3A_183 = vector.broadcast %mul3A_173 : i32 to vector<16xi32>
    %add3A_184 = arith.addi %add3A_183, %mul3A_182 : vector<16xi32>
    %add3A_185 = arith.constant 1 : i32
    %add3A_186 = vector.broadcast %add3A_185 : i32 to vector<16xi32>
    %add3A_187 = arith.addi %add3A_184, %add3A_186 : vector<16xi32>
    %swap3A_188 = arith.constant 32 : index
    %swap3A_189 = tpu.vector_load %arg6[%swap3A_188] {strides = array<i32>} : memref<64xi32, #tpu.memory_space<vmem>>, vector<16xi32>,
    %swap3A_190 = vector.shape_cast %swap3A_189 : vector<16xi32> to vector<16xi32>
    %swap3A_191 = vector.shape_cast %add3A_187 : vector<16xi32> to vector<16xi32>
    tpu.vector_store %arg6[%swap3A_188], %swap3A_191 {strides = array<i32>} : memref<64xi32, #tpu.memory_space<vmem>>, vector<16xi32>,
    %get3A_192 = arith.constant 48 : index
    %get3A_193 = tpu.vector_load %arg5[%get3A_192] {strides = array<i32>} : memref<64xi32, #tpu.memory_space<vmem>>, vector<16xi32>,
    %get3A_194 = vector.shape_cast %get3A_193 : vector<16xi32> to vector<16xi32>
    %mul3A_195 = arith.constant 2048 : i32
    %mul3A_196 = arith.muli %select_n3A, %mul3A_195 : i32
    %add3A_197 = vector.broadcast %mul3A_196 : i32 to vector<16xi32>
    %add3A_198 = arith.addi %get3A_194, %add3A_197 : vector<16xi32>
    %swap3A_199 = arith.constant 48 : index
    %swap3A_200 = tpu.vector_load %arg5[%swap3A_199] {strides = array<i32>} : memref<64xi32, #tpu.memory_space<vmem>>, vector<16xi32>,
    %swap3A_201 = vector.shape_cast %swap3A_200 : vector<16xi32> to vector<16xi32>
    %swap3A_202 = vector.shape_cast %add3A_198 : vector<16xi32> to vector<16xi32>
    tpu.vector_store %arg5[%swap3A_199], %swap3A_202 {strides = array<i32>} : memref<64xi32, #tpu.memory_space<vmem>>, vector<16xi32>,
    %mul3A_203 = arith.constant 2048 : i32
    %mul3A_204 = arith.muli %select_n3A, %mul3A_203 : i32
    %add3A_205 = arith.constant 0 : i32
    %add3A_206 = arith.addi %sub3A_21, %add3A_205 : i32
    %add3A_207 = arith.constant 48 : i32
    %add3A_208 = arith.addi %add3A_206, %add3A_207 : i32
    %add3A_209 = vector.broadcast %add3A_208 : i32 to vector<16xi32>
    %add3A_210 = arith.addi %add3A_209, %iota3A : vector<16xi32>
    %mul3A_211 = arith.constant 2 : i32
    %mul3A_212 = vector.broadcast %mul3A_211 : i32 to vector<16xi32>
    %mul3A_213 = arith.muli %mul3A_212, %add3A_210 : vector<16xi32>
    %add3A_214 = vector.broadcast %mul3A_204 : i32 to vector<16xi32>
    %add3A_215 = arith.addi %add3A_214, %mul3A_213 : vector<16xi32>
    %add3A_216 = arith.constant 1 : i32
    %add3A_217 = vector.broadcast %add3A_216 : i32 to vector<16xi32>
    %add3A_218 = arith.addi %add3A_215, %add3A_217 : vector<16xi32>
    %swap3A_219 = arith.constant 48 : index
    %swap3A_220 = tpu.vector_load %arg6[%swap3A_219] {strides = array<i32>} : memref<64xi32, #tpu.memory_space<vmem>>, vector<16xi32>,
    %swap3A_221 = vector.shape_cast %swap3A_220 : vector<16xi32> to vector<16xi32>
    %swap3A_222 = vector.shape_cast %add3A_218 : vector<16xi32> to vector<16xi32>
    tpu.vector_store %arg6[%swap3A_219], %swap3A_222 {strides = array<i32>} : memref<64xi32, #tpu.memory_space<vmem>>, vector<16xi32>,
    %dma_start3A_223 = arith.constant 0 : i32
    %dma_start3A_224 = arith.constant 0 : i32
    %dma_start3A_225 = tpu.memref_slice %arg2[%dma_start3A_223, %dma_start3A_224] : memref<4096x1024xf32, #tpu.memory_space<hbm>> -> memref<4096x1024xf32, #tpu.memory_space<hbm>>
    tpu.enqueue_indirect_dma source(%dma_start3A_225 : memref<4096x1024xf32, #tpu.memory_space<hbm>>) target(%arg7 : memref<64x1024xf32, #tpu.memory_space<vmem>>) offsets(%arg5 : memref<64xi32, #tpu.memory_space<vmem>>) semaphore(%arg8 : memref<!tpu.dma_semaphore, #tpu.memory_space<semaphore_mem>>)
    %dma_wait3A_226 = arith.constant 0 : i32
    %dma_wait3A_227 = arith.constant 0 : i32
    %dma_wait3A_228 = tpu.memref_slice %arg2[%dma_wait3A_226, %dma_wait3A_227] : memref<4096x1024xf32, #tpu.memory_space<hbm>> -> memref<4096x1024xf32, #tpu.memory_space<hbm>>
    tpu.wait_indirect_dma semaphore(%arg8 : memref<!tpu.dma_semaphore, #tpu.memory_space<semaphore_mem>>) src(%dma_wait3A_228 : memref<4096x1024xf32, #tpu.memory_space<hbm>>) dst(%arg7 : memref<64x1024xf32, #tpu.memory_space<vmem>>)
    %dma_start3A_229 = arith.constant 0 : i32
    %dma_start3A_230 = arith.constant 0 : i32
    %dma_start3A_231 = tpu.memref_slice %arg4[%dma_start3A_229, %dma_start3A_230] : memref<4096x1024xf32, #tpu.memory_space<hbm>> -> memref<4096x1024xf32, #tpu.memory_space<hbm>>
    tpu.enqueue_indirect_dma source(%arg7 : memref<64x1024xf32, #tpu.memory_space<vmem>>) target(%dma_start3A_231 : memref<4096x1024xf32, #tpu.memory_space<hbm>>) offsets(%arg6 : memref<64xi32, #tpu.memory_space<vmem>>) semaphore(%arg8 : memref<!tpu.dma_semaphore, #tpu.memory_space<semaphore_mem>>)
    %dma_wait3A_232 = arith.constant 0 : i32
    %dma_wait3A_233 = arith.constant 0 : i32
    %dma_wait3A_234 = tpu.memref_slice %arg4[%dma_wait3A_232, %dma_wait3A_233] : memref<4096x1024xf32, #tpu.memory_space<hbm>> -> memref<4096x1024xf32, #tpu.memory_space<hbm>>
    tpu.wait_indirect_dma semaphore(%arg8 : memref<!tpu.dma_semaphore, #tpu.memory_space<semaphore_mem>>) src(%arg7 : memref<64x1024xf32, #tpu.memory_space<vmem>>) dst(%dma_wait3A_234 : memref<4096x1024xf32, #tpu.memory_space<hbm>>)
    return
  }
}

module attributes {stable_mosaic.version = 14 : i64} {
  func.func @_match_body(%arg0: memref<2x1024x1024xf32, #tpu.memory_space<vmem>>, %arg1: memref<2x1024x1024xf32, #tpu.memory_space<vmem>>, %arg2: memref<2x2048x1024xf32, #tpu.memory_space<vmem>>, %arg3: memref<2x1x2048xf32, #tpu.memory_space<vmem>>, %arg4: memref<2x1x1024xi32, #tpu.memory_space<vmem>>, %arg5: memref<2x1024x1024xf32, #tpu.memory_space<vmem>>, %arg6: memref<2x1x1024xf32, #tpu.memory_space<vmem>>, %arg7: memref<2x1x1024xf32, #tpu.memory_space<vmem>>) attributes {dimension_semantics = [], scalar_prefetch = 0 : i64, scratch_operands = 3 : i64, tpu.core_type = #tpu.core_type<tc>} {
    %iota3A = tpu.iota {dimensions = array<i32: 1>} : vector<1x1024xi32>
    %get3A = arith.constant 0 : index
    %get3A_0 = arith.constant 0 : index
    %get3A_1 = arith.constant 0 : index
    %get3A_2 = vector.load %arg0[%get3A, %get3A_0, %get3A_1] : memref<2x1024x1024xf32, #tpu.memory_space<vmem>>, vector<1x1024x1024xf32>
    %get3A_3 = vector.shape_cast %get3A_2 : vector<1x1024x1024xf32> to vector<1024x1024xf32>
    %get3A_4 = arith.constant 0 : index
    %get3A_5 = arith.constant 0 : index
    %get3A_6 = arith.constant 0 : index
    %get3A_7 = vector.load %arg1[%get3A_4, %get3A_5, %get3A_6] : memref<2x1024x1024xf32, #tpu.memory_space<vmem>>, vector<1x1024x1024xf32>
    %get3A_8 = vector.shape_cast %get3A_7 : vector<1x1024x1024xf32> to vector<1024x1024xf32>
    %mul3A = arith.mulf %get3A_3, %get3A_3 : vector<1024x1024xf32>
    %reduce_sum3A = arith.constant dense<0.000000e+00> : vector<1024xf32>
    %reduce_sum3A_9 = vector.multi_reduction <add>, %mul3A, %reduce_sum3A [1] : vector<1024x1024xf32> to vector<1024xf32>
    %broadcast_in_dim3A = vector.shape_cast %reduce_sum3A_9 : vector<1024xf32> to vector<1024x1xf32>
    %sqrt3A = math.sqrt %broadcast_in_dim3A : vector<1024x1xf32>
    %max3A = arith.constant 9.99999996E-13 : f32
    %max3A_10 = vector.broadcast %max3A : f32 to vector<1024x1xf32>
    %max3A_11 = arith.maximumf %sqrt3A, %max3A_10 : vector<1024x1xf32>
    %div3A = vector.broadcast %max3A_11 : vector<1024x1xf32> to vector<1024x1024xf32>
    %div3A_12 = arith.divf %get3A_3, %div3A : vector<1024x1024xf32>
    %mul3A_13 = arith.mulf %get3A_8, %get3A_8 : vector<1024x1024xf32>
    %reduce_sum3A_14 = arith.constant dense<0.000000e+00> : vector<1024xf32>
    %reduce_sum3A_15 = vector.multi_reduction <add>, %mul3A_13, %reduce_sum3A_14 [1] : vector<1024x1024xf32> to vector<1024xf32>
    %broadcast_in_dim3A_16 = vector.shape_cast %reduce_sum3A_15 : vector<1024xf32> to vector<1024x1xf32>
    %sqrt3A_17 = math.sqrt %broadcast_in_dim3A_16 : vector<1024x1xf32>
    %max3A_18 = arith.constant 9.99999996E-13 : f32
    %max3A_19 = vector.broadcast %max3A_18 : f32 to vector<1024x1xf32>
    %max3A_20 = arith.maximumf %sqrt3A_17, %max3A_19 : vector<1024x1xf32>
    %div3A_21 = vector.broadcast %max3A_20 : vector<1024x1xf32> to vector<1024x1024xf32>
    %div3A_22 = arith.divf %get3A_8, %div3A_21 : vector<1024x1024xf32>
    %dot_general3A = arith.constant dense<0.000000e+00> : vector<1024x1024xf32>
    %dot_general3A_23 = tpu.matmul %div3A_12, %div3A_22, %dot_general3A {dimension_numbers = #tpu.dot_dimension_numbers<[1], [1], [0], [0], [0, 0, 1, 0], [], []>, transpose_lhs_hint = false} : vector<1024x1024xf32>, vector<1024x1024xf32>, vector<1024x1024xf32> -> vector<1024x1024xf32>
    %swap3A = arith.constant 0 : index
    %swap3A_24 = arith.constant 0 : index
    %swap3A_25 = arith.constant 0 : index
    %swap3A_26 = vector.load %arg5[%swap3A, %swap3A_24, %swap3A_25] : memref<2x1024x1024xf32, #tpu.memory_space<vmem>>, vector<1x1024x1024xf32>
    %swap3A_27 = vector.shape_cast %swap3A_26 : vector<1x1024x1024xf32> to vector<1024x1024xf32>
    %swap3A_28 = vector.shape_cast %dot_general3A_23 : vector<1024x1024xf32> to vector<1x1024x1024xf32>
    tpu.vector_store %arg5[%swap3A, %swap3A_24, %swap3A_25], %swap3A_28 {strides = array<i32>} : memref<2x1024x1024xf32, #tpu.memory_space<vmem>>, vector<1x1024x1024xf32>,
    %transpose3A = tpu.transpose %dot_general3A_23, [1, 0] : vector<1024x1024xf32> -> vector<1024x1024xf32>
    %reduce_max3A = arith.constant dense<0xFF800000> : vector<1024xf32>
    %reduce_max3A_29 = vector.multi_reduction <maximumf>, %transpose3A, %reduce_max3A [0] : vector<1024x1024xf32> to vector<1024xf32>
    %broadcast_in_dim3A_30 = vector.shape_cast %reduce_max3A_29 : vector<1024xf32> to vector<1x1024xf32>
    %swap3A_31 = arith.constant 0 : index
    %swap3A_32 = arith.constant 0 : index
    %swap3A_33 = arith.constant 0 : index
    %swap3A_34 = vector.load %arg6[%swap3A_31, %swap3A_32, %swap3A_33] : memref<2x1x1024xf32, #tpu.memory_space<vmem>>, vector<1x1x1024xf32>
    %swap3A_35 = vector.shape_cast %swap3A_34 : vector<1x1x1024xf32> to vector<1x1024xf32>
    %swap3A_36 = vector.shape_cast %broadcast_in_dim3A_30 : vector<1x1024xf32> to vector<1x1x1024xf32>
    tpu.vector_store %arg6[%swap3A_31, %swap3A_32, %swap3A_33], %swap3A_36 {strides = array<i32>} : memref<2x1x1024xf32, #tpu.memory_space<vmem>>, vector<1x1x1024xf32>,
    %broadcast_in_dim3A_37 = arith.constant 0.000000e+00 : f32
    %broadcast_in_dim3A_38 = vector.broadcast %broadcast_in_dim3A_37 : f32 to vector<1x1024xf32>
    %swap3A_39 = arith.constant 0 : index
    %swap3A_40 = arith.constant 0 : index
    %swap3A_41 = arith.constant 0 : index
    %swap3A_42 = vector.load %arg7[%swap3A_39, %swap3A_40, %swap3A_41] : memref<2x1x1024xf32, #tpu.memory_space<vmem>>, vector<1x1x1024xf32>
    %swap3A_43 = vector.shape_cast %swap3A_42 : vector<1x1x1024xf32> to vector<1x1024xf32>
    %swap3A_44 = vector.shape_cast %broadcast_in_dim3A_38 : vector<1x1024xf32> to vector<1x1x1024xf32>
    tpu.vector_store %arg7[%swap3A_39, %swap3A_40, %swap3A_41], %swap3A_44 {strides = array<i32>} : memref<2x1x1024xf32, #tpu.memory_space<vmem>>, vector<1x1x1024xf32>,
    %add3A = arith.constant 1024 : i32
    %add3A_45 = vector.broadcast %add3A : i32 to vector<1x1024xi32>
    %add3A_46 = arith.addi %iota3A, %add3A_45 : vector<1x1024xi32>
    %swap3A_47 = arith.constant 0 : index
    %swap3A_48 = arith.constant 0 : index
    %swap3A_49 = arith.constant 0 : index
    %swap3A_50 = vector.load %arg4[%swap3A_47, %swap3A_48, %swap3A_49] : memref<2x1x1024xi32, #tpu.memory_space<vmem>>, vector<1x1x1024xi32>
    %swap3A_51 = vector.shape_cast %swap3A_50 : vector<1x1x1024xi32> to vector<1x1024xi32>
    %swap3A_52 = vector.shape_cast %add3A_46 : vector<1x1024xi32> to vector<1x1x1024xi32>
    tpu.vector_store %arg4[%swap3A_47, %swap3A_48, %swap3A_49], %swap3A_52 {strides = array<i32>} : memref<2x1x1024xi32, #tpu.memory_space<vmem>>, vector<1x1x1024xi32>,
    %get3A_53 = arith.constant 1 : index
    %get3A_54 = arith.constant 0 : index
    %get3A_55 = arith.constant 0 : index
    %get3A_56 = vector.load %arg0[%get3A_53, %get3A_54, %get3A_55] : memref<2x1024x1024xf32, #tpu.memory_space<vmem>>, vector<1x1024x1024xf32>
    %get3A_57 = vector.shape_cast %get3A_56 : vector<1x1024x1024xf32> to vector<1024x1024xf32>
    %get3A_58 = arith.constant 1 : index
    %get3A_59 = arith.constant 0 : index
    %get3A_60 = arith.constant 0 : index
    %get3A_61 = vector.load %arg1[%get3A_58, %get3A_59, %get3A_60] : memref<2x1024x1024xf32, #tpu.memory_space<vmem>>, vector<1x1024x1024xf32>
    %get3A_62 = vector.shape_cast %get3A_61 : vector<1x1024x1024xf32> to vector<1024x1024xf32>
    %mul3A_63 = arith.mulf %get3A_57, %get3A_57 : vector<1024x1024xf32>
    %reduce_sum3A_64 = arith.constant dense<0.000000e+00> : vector<1024xf32>
    %reduce_sum3A_65 = vector.multi_reduction <add>, %mul3A_63, %reduce_sum3A_64 [1] : vector<1024x1024xf32> to vector<1024xf32>
    %broadcast_in_dim3A_66 = vector.shape_cast %reduce_sum3A_65 : vector<1024xf32> to vector<1024x1xf32>
    %sqrt3A_67 = math.sqrt %broadcast_in_dim3A_66 : vector<1024x1xf32>
    %max3A_68 = arith.constant 9.99999996E-13 : f32
    %max3A_69 = vector.broadcast %max3A_68 : f32 to vector<1024x1xf32>
    %max3A_70 = arith.maximumf %sqrt3A_67, %max3A_69 : vector<1024x1xf32>
    %div3A_71 = vector.broadcast %max3A_70 : vector<1024x1xf32> to vector<1024x1024xf32>
    %div3A_72 = arith.divf %get3A_57, %div3A_71 : vector<1024x1024xf32>
    %mul3A_73 = arith.mulf %get3A_62, %get3A_62 : vector<1024x1024xf32>
    %reduce_sum3A_74 = arith.constant dense<0.000000e+00> : vector<1024xf32>
    %reduce_sum3A_75 = vector.multi_reduction <add>, %mul3A_73, %reduce_sum3A_74 [1] : vector<1024x1024xf32> to vector<1024xf32>
    %broadcast_in_dim3A_76 = vector.shape_cast %reduce_sum3A_75 : vector<1024xf32> to vector<1024x1xf32>
    %sqrt3A_77 = math.sqrt %broadcast_in_dim3A_76 : vector<1024x1xf32>
    %max3A_78 = arith.constant 9.99999996E-13 : f32
    %max3A_79 = vector.broadcast %max3A_78 : f32 to vector<1024x1xf32>
    %max3A_80 = arith.maximumf %sqrt3A_77, %max3A_79 : vector<1024x1xf32>
    %div3A_81 = vector.broadcast %max3A_80 : vector<1024x1xf32> to vector<1024x1024xf32>
    %div3A_82 = arith.divf %get3A_62, %div3A_81 : vector<1024x1024xf32>
    %dot_general3A_83 = arith.constant dense<0.000000e+00> : vector<1024x1024xf32>
    %dot_general3A_84 = tpu.matmul %div3A_72, %div3A_82, %dot_general3A_83 {dimension_numbers = #tpu.dot_dimension_numbers<[1], [1], [0], [0], [0, 0, 1, 0], [], []>, transpose_lhs_hint = false} : vector<1024x1024xf32>, vector<1024x1024xf32>, vector<1024x1024xf32> -> vector<1024x1024xf32>
    %swap3A_85 = arith.constant 1 : index
    %swap3A_86 = arith.constant 0 : index
    %swap3A_87 = arith.constant 0 : index
    %swap3A_88 = vector.load %arg5[%swap3A_85, %swap3A_86, %swap3A_87] : memref<2x1024x1024xf32, #tpu.memory_space<vmem>>, vector<1x1024x1024xf32>
    %swap3A_89 = vector.shape_cast %swap3A_88 : vector<1x1024x1024xf32> to vector<1024x1024xf32>
    %swap3A_90 = vector.shape_cast %dot_general3A_84 : vector<1024x1024xf32> to vector<1x1024x1024xf32>
    tpu.vector_store %arg5[%swap3A_85, %swap3A_86, %swap3A_87], %swap3A_90 {strides = array<i32>} : memref<2x1024x1024xf32, #tpu.memory_space<vmem>>, vector<1x1024x1024xf32>,
    %transpose3A_91 = tpu.transpose %dot_general3A_84, [1, 0] : vector<1024x1024xf32> -> vector<1024x1024xf32>
    %reduce_max3A_92 = arith.constant dense<0xFF800000> : vector<1024xf32>
    %reduce_max3A_93 = vector.multi_reduction <maximumf>, %transpose3A_91, %reduce_max3A_92 [0] : vector<1024x1024xf32> to vector<1024xf32>
    %broadcast_in_dim3A_94 = vector.shape_cast %reduce_max3A_93 : vector<1024xf32> to vector<1x1024xf32>
    %swap3A_95 = arith.constant 1 : index
    %swap3A_96 = arith.constant 0 : index
    %swap3A_97 = arith.constant 0 : index
    %swap3A_98 = vector.load %arg6[%swap3A_95, %swap3A_96, %swap3A_97] : memref<2x1x1024xf32, #tpu.memory_space<vmem>>, vector<1x1x1024xf32>
    %swap3A_99 = vector.shape_cast %swap3A_98 : vector<1x1x1024xf32> to vector<1x1024xf32>
    %swap3A_100 = vector.shape_cast %broadcast_in_dim3A_94 : vector<1x1024xf32> to vector<1x1x1024xf32>
    tpu.vector_store %arg6[%swap3A_95, %swap3A_96, %swap3A_97], %swap3A_100 {strides = array<i32>} : memref<2x1x1024xf32, #tpu.memory_space<vmem>>, vector<1x1x1024xf32>,
    %broadcast_in_dim3A_101 = arith.constant 0.000000e+00 : f32
    %broadcast_in_dim3A_102 = vector.broadcast %broadcast_in_dim3A_101 : f32 to vector<1x1024xf32>
    %swap3A_103 = arith.constant 1 : index
    %swap3A_104 = arith.constant 0 : index
    %swap3A_105 = arith.constant 0 : index
    %swap3A_106 = vector.load %arg7[%swap3A_103, %swap3A_104, %swap3A_105] : memref<2x1x1024xf32, #tpu.memory_space<vmem>>, vector<1x1x1024xf32>
    %swap3A_107 = vector.shape_cast %swap3A_106 : vector<1x1x1024xf32> to vector<1x1024xf32>
    %swap3A_108 = vector.shape_cast %broadcast_in_dim3A_102 : vector<1x1024xf32> to vector<1x1x1024xf32>
    tpu.vector_store %arg7[%swap3A_103, %swap3A_104, %swap3A_105], %swap3A_108 {strides = array<i32>} : memref<2x1x1024xf32, #tpu.memory_space<vmem>>, vector<1x1x1024xf32>,
    %add3A_109 = arith.constant 1024 : i32
    %add3A_110 = vector.broadcast %add3A_109 : i32 to vector<1x1024xi32>
    %add3A_111 = arith.addi %iota3A, %add3A_110 : vector<1x1024xi32>
    %swap3A_112 = arith.constant 1 : index
    %swap3A_113 = arith.constant 0 : index
    %swap3A_114 = arith.constant 0 : index
    %swap3A_115 = vector.load %arg4[%swap3A_112, %swap3A_113, %swap3A_114] : memref<2x1x1024xi32, #tpu.memory_space<vmem>>, vector<1x1x1024xi32>
    %swap3A_116 = vector.shape_cast %swap3A_115 : vector<1x1x1024xi32> to vector<1x1024xi32>
    %swap3A_117 = vector.shape_cast %add3A_111 : vector<1x1024xi32> to vector<1x1x1024xi32>
    tpu.vector_store %arg4[%swap3A_112, %swap3A_113, %swap3A_114], %swap3A_117 {strides = array<i32>} : memref<2x1x1024xi32, #tpu.memory_space<vmem>>, vector<1x1x1024xi32>,
    %while3A = arith.constant 1073741824 : i32
    %while3A_118 = arith.constant 0 : i32
    %while3A_119 = arith.constant 0 : i32
    %while3A_120:2 = scf.while (%while3A_274 = %while3A_118, %while3A_275 = %while3A_119) : (i32, i32) -> (i32, i32) {
      %lt3A_276 = arith.constant 256 : i32
      %lt3A_277 = arith.cmpi slt, %while3A_274, %lt3A_276 : i32
      %lt3A_278 = arith.constant 256 : i32
      %lt3A_279 = arith.cmpi slt, %while3A_275, %lt3A_278 : i32
      %or3A = arith.ori %lt3A_277, %lt3A_279 : i1
      scf.condition(%or3A) %while3A_274, %while3A_275 : i32, i32
    } do {
    ^bb0(%while3A_274: i32, %while3A_275: i32):
      %get3A_276 = arith.constant 0 : index
      %get3A_277 = arith.constant 0 : index
      %get3A_278 = arith.constant 0 : index
      %get3A_279 = vector.load %arg6[%get3A_276, %get3A_277, %get3A_278] : memref<2x1x1024xf32, #tpu.memory_space<vmem>>, vector<1x1x1024xf32>
      %get3A_280 = vector.shape_cast %get3A_279 : vector<1x1x1024xf32> to vector<1x1024xf32>
      %reduce_max3A_281 = vector.shape_cast %get3A_280 : vector<1x1024xf32> to vector<1x1x1024xf32>
      %reduce_max3A_282 = arith.constant dense<0xFF800000> : vector<1xf32>
      %reduce_max3A_283 = vector.multi_reduction <maximumf>, %reduce_max3A_281, %reduce_max3A_282 [1, 2] : vector<1x1x1024xf32> to vector<1xf32>
      %reduce_max3A_284 = vector.shape_cast %reduce_max3A_283 : vector<1xf32> to vector<1x1x1xf32>
      %reduce_max3A_285 = vector.extract %reduce_max3A_284[0, 0, 0] : f32 from vector<1x1x1xf32>
      %eq3A_286 = vector.broadcast %reduce_max3A_285 : f32 to vector<1x1024xf32>
      %eq3A_287 = arith.cmpf oeq, %get3A_280, %eq3A_286 : vector<1x1024xf32>
      %broadcast_in_dim3A_288 = vector.broadcast %while3A : i32 to vector<1x1024xi32>
      %select_n3A_289 = arith.select %eq3A_287, %iota3A, %broadcast_in_dim3A_288 : vector<1x1024xi1>, vector<1x1024xi32>
      %reduce_min3A = vector.shape_cast %select_n3A_289 : vector<1x1024xi32> to vector<1x1x1024xi32>
      %reduce_min3A_290 = arith.constant dense<2147483647> : vector<1xi32>
      %reduce_min3A_291 = vector.multi_reduction <minsi>, %reduce_min3A, %reduce_min3A_290 [1, 2] : vector<1x1x1024xi32> to vector<1xi32>
      %reduce_min3A_292 = vector.shape_cast %reduce_min3A_291 : vector<1xi32> to vector<1x1x1xi32>
      %reduce_min3A_293 = vector.extract %reduce_min3A_292[0, 0, 0] : i32 from vector<1x1x1xi32>
      %get3A_294 = arith.constant 0 : index
      %get3A_295 = arith.index_cast %reduce_min3A_293 : i32 to index
      %get3A_296 = arith.constant 0 : index
      %get3A_297 = vector.load %arg5[%get3A_294, %get3A_295, %get3A_296] : memref<2x1024x1024xf32, #tpu.memory_space<vmem>>, vector<1x1x1024xf32>
      %get3A_298 = vector.shape_cast %get3A_297 : vector<1x1x1024xf32> to vector<1x1024xf32>
      %get3A_299 = arith.constant 0 : index
      %get3A_300 = arith.constant 0 : index
      %get3A_301 = arith.constant 0 : index
      %get3A_302 = vector.load %arg7[%get3A_299, %get3A_300, %get3A_301] : memref<2x1x1024xf32, #tpu.memory_space<vmem>>, vector<1x1x1024xf32>
      %get3A_303 = vector.shape_cast %get3A_302 : vector<1x1x1024xf32> to vector<1x1024xf32>
      %gt3A_304 = arith.constant 0.000000e+00 : f32
      %gt3A_305 = vector.broadcast %gt3A_304 : f32 to vector<1x1024xf32>
      %gt3A_306 = arith.cmpf ogt, %get3A_303, %gt3A_305 : vector<1x1024xf32>
      %jit3A_307 = arith.constant 0xFF800000 : f32
      %broadcast_in_dim3A_308 = vector.broadcast %jit3A_307 : f32 to vector<1x1024xf32>
      %select_n3A_309 = arith.select %gt3A_306, %broadcast_in_dim3A_308, %get3A_298 : vector<1x1024xi1>, vector<1x1024xf32>
      %reduce_max3A_310 = vector.shape_cast %select_n3A_309 : vector<1x1024xf32> to vector<1x1x1024xf32>
      %reduce_max3A_311 = arith.constant dense<0xFF800000> : vector<1xf32>
      %reduce_max3A_312 = vector.multi_reduction <maximumf>, %reduce_max3A_310, %reduce_max3A_311 [1, 2] : vector<1x1x1024xf32> to vector<1xf32>
      %reduce_max3A_313 = vector.shape_cast %reduce_max3A_312 : vector<1xf32> to vector<1x1x1xf32>
      %reduce_max3A_314 = vector.extract %reduce_max3A_313[0, 0, 0] : f32 from vector<1x1x1xf32>
      %eq3A_315 = vector.broadcast %reduce_max3A_314 : f32 to vector<1x1024xf32>
      %eq3A_316 = arith.cmpf oeq, %select_n3A_309, %eq3A_315 : vector<1x1024xf32>
      %broadcast_in_dim3A_317 = vector.broadcast %while3A : i32 to vector<1x1024xi32>
      %select_n3A_318 = arith.select %eq3A_316, %iota3A, %broadcast_in_dim3A_317 : vector<1x1024xi1>, vector<1x1024xi32>
      %reduce_min3A_319 = vector.shape_cast %select_n3A_318 : vector<1x1024xi32> to vector<1x1x1024xi32>
      %reduce_min3A_320 = arith.constant dense<2147483647> : vector<1xi32>
      %reduce_min3A_321 = vector.multi_reduction <minsi>, %reduce_min3A_319, %reduce_min3A_320 [1, 2] : vector<1x1x1024xi32> to vector<1xi32>
      %reduce_min3A_322 = vector.shape_cast %reduce_min3A_321 : vector<1xi32> to vector<1x1x1xi32>
      %reduce_min3A_323 = vector.extract %reduce_min3A_322[0, 0, 0] : i32 from vector<1x1x1xi32>
      %eq3A_324 = arith.cmpf oeq, %reduce_max3A_314, %reduce_max3A_285 : f32
      %lt3A_325 = arith.constant 256 : i32
      %lt3A_326 = arith.cmpi slt, %while3A_274, %lt3A_325 : i32
      %and3A_327 = arith.andi %eq3A_324, %lt3A_326 : i1
      %eq3A_328 = vector.broadcast %reduce_min3A_293 : i32 to vector<1x1024xi32>
      %eq3A_329 = arith.cmpi eq, %iota3A, %eq3A_328 : vector<1x1024xi32>
      %jit3A_330 = arith.constant 0xFF800000 : f32
      %select_n3A_331 = arith.select %and3A_327, %jit3A_330, %reduce_max3A_314 : f32
      %broadcast_in_dim3A_332 = vector.broadcast %select_n3A_331 : f32 to vector<1x1024xf32>
      %select_n3A_333 = arith.select %eq3A_329, %broadcast_in_dim3A_332, %get3A_280 : vector<1x1024xi1>, vector<1x1024xf32>
      %swap3A_334 = arith.constant 0 : index
      %swap3A_335 = arith.constant 0 : index
      %swap3A_336 = arith.constant 0 : index
      %swap3A_337 = vector.load %arg6[%swap3A_334, %swap3A_335, %swap3A_336] : memref<2x1x1024xf32, #tpu.memory_space<vmem>>, vector<1x1x1024xf32>
      %swap3A_338 = vector.shape_cast %swap3A_337 : vector<1x1x1024xf32> to vector<1x1024xf32>
      %swap3A_339 = vector.shape_cast %select_n3A_333 : vector<1x1024xf32> to vector<1x1x1024xf32>
      tpu.vector_store %arg6[%swap3A_334, %swap3A_335, %swap3A_336], %swap3A_339 {strides = array<i32>} : memref<2x1x1024xf32, #tpu.memory_space<vmem>>, vector<1x1x1024xf32>,
      %eq3A_340 = vector.broadcast %reduce_min3A_323 : i32 to vector<1x1024xi32>
      %eq3A_341 = arith.cmpi eq, %iota3A, %eq3A_340 : vector<1x1024xi32>
      %and3A_342 = vector.broadcast %and3A_327 : i1 to vector<1x1024xi1>
      %and3A_343 = arith.andi %eq3A_341, %and3A_342 : vector<1x1024xi1>
      %jit3A_344 = arith.constant 1.000000e+00 : f32
      %broadcast_in_dim3A_345 = vector.broadcast %jit3A_344 : f32 to vector<1x1024xf32>
      %select_n3A_346 = arith.select %and3A_343, %broadcast_in_dim3A_345, %get3A_303 : vector<1x1024xi1>, vector<1x1024xf32>
      %swap3A_347 = arith.constant 0 : index
      %swap3A_348 = arith.constant 0 : index
      %swap3A_349 = arith.constant 0 : index
      %swap3A_350 = vector.load %arg7[%swap3A_347, %swap3A_348, %swap3A_349] : memref<2x1x1024xf32, #tpu.memory_space<vmem>>, vector<1x1x1024xf32>
      %swap3A_351 = vector.shape_cast %swap3A_350 : vector<1x1x1024xf32> to vector<1x1024xf32>
      %swap3A_352 = vector.shape_cast %select_n3A_346 : vector<1x1024xf32> to vector<1x1x1024xf32>
      tpu.vector_store %arg7[%swap3A_347, %swap3A_348, %swap3A_349], %swap3A_352 {strides = array<i32>} : memref<2x1x1024xf32, #tpu.memory_space<vmem>>, vector<1x1x1024xf32>,
      %eq3A_353 = vector.broadcast %reduce_min3A_323 : i32 to vector<1x1024xi32>
      %eq3A_354 = arith.cmpi eq, %iota3A, %eq3A_353 : vector<1x1024xi32>
      %and3A_355 = vector.broadcast %and3A_327 : i1 to vector<1x1024xi1>
      %and3A_356 = arith.andi %eq3A_354, %and3A_355 : vector<1x1024xi1>
      %get3A_357 = arith.constant 0 : index
      %get3A_358 = arith.constant 0 : index
      %get3A_359 = arith.constant 0 : index
      %get3A_360 = vector.load %arg4[%get3A_357, %get3A_358, %get3A_359] : memref<2x1x1024xi32, #tpu.memory_space<vmem>>, vector<1x1x1024xi32>
      %get3A_361 = vector.shape_cast %get3A_360 : vector<1x1x1024xi32> to vector<1x1024xi32>
      %broadcast_in_dim3A_362 = vector.broadcast %reduce_min3A_293 : i32 to vector<1x1024xi32>
      %select_n3A_363 = arith.select %and3A_356, %broadcast_in_dim3A_362, %get3A_361 : vector<1x1024xi1>, vector<1x1024xi32>
      %swap3A_364 = arith.constant 0 : index
      %swap3A_365 = arith.constant 0 : index
      %swap3A_366 = arith.constant 0 : index
      %swap3A_367 = vector.load %arg4[%swap3A_364, %swap3A_365, %swap3A_366] : memref<2x1x1024xi32, #tpu.memory_space<vmem>>, vector<1x1x1024xi32>
      %swap3A_368 = vector.shape_cast %swap3A_367 : vector<1x1x1024xi32> to vector<1x1024xi32>
      %swap3A_369 = vector.shape_cast %select_n3A_363 : vector<1x1024xi32> to vector<1x1x1024xi32>
      tpu.vector_store %arg4[%swap3A_364, %swap3A_365, %swap3A_366], %swap3A_369 {strides = array<i32>} : memref<2x1x1024xi32, #tpu.memory_space<vmem>>, vector<1x1x1024xi32>,
      %convert_element_type3A_370 = arith.extui %and3A_327 : i1 to i32
      %add3A_371 = arith.addi %while3A_274, %convert_element_type3A_370 : i32
      %get3A_372 = arith.constant 1 : index
      %get3A_373 = arith.constant 0 : index
      %get3A_374 = arith.constant 0 : index
      %get3A_375 = vector.load %arg6[%get3A_372, %get3A_373, %get3A_374] : memref<2x1x1024xf32, #tpu.memory_space<vmem>>, vector<1x1x1024xf32>
      %get3A_376 = vector.shape_cast %get3A_375 : vector<1x1x1024xf32> to vector<1x1024xf32>
      %reduce_max3A_377 = vector.shape_cast %get3A_376 : vector<1x1024xf32> to vector<1x1x1024xf32>
      %reduce_max3A_378 = arith.constant dense<0xFF800000> : vector<1xf32>
      %reduce_max3A_379 = vector.multi_reduction <maximumf>, %reduce_max3A_377, %reduce_max3A_378 [1, 2] : vector<1x1x1024xf32> to vector<1xf32>
      %reduce_max3A_380 = vector.shape_cast %reduce_max3A_379 : vector<1xf32> to vector<1x1x1xf32>
      %reduce_max3A_381 = vector.extract %reduce_max3A_380[0, 0, 0] : f32 from vector<1x1x1xf32>
      %eq3A_382 = vector.broadcast %reduce_max3A_381 : f32 to vector<1x1024xf32>
      %eq3A_383 = arith.cmpf oeq, %get3A_376, %eq3A_382 : vector<1x1024xf32>
      %broadcast_in_dim3A_384 = vector.broadcast %while3A : i32 to vector<1x1024xi32>
      %select_n3A_385 = arith.select %eq3A_383, %iota3A, %broadcast_in_dim3A_384 : vector<1x1024xi1>, vector<1x1024xi32>
      %reduce_min3A_386 = vector.shape_cast %select_n3A_385 : vector<1x1024xi32> to vector<1x1x1024xi32>
      %reduce_min3A_387 = arith.constant dense<2147483647> : vector<1xi32>
      %reduce_min3A_388 = vector.multi_reduction <minsi>, %reduce_min3A_386, %reduce_min3A_387 [1, 2] : vector<1x1x1024xi32> to vector<1xi32>
      %reduce_min3A_389 = vector.shape_cast %reduce_min3A_388 : vector<1xi32> to vector<1x1x1xi32>
      %reduce_min3A_390 = vector.extract %reduce_min3A_389[0, 0, 0] : i32 from vector<1x1x1xi32>
      %get3A_391 = arith.constant 1 : index
      %get3A_392 = arith.index_cast %reduce_min3A_390 : i32 to index
      %get3A_393 = arith.constant 0 : index
      %get3A_394 = vector.load %arg5[%get3A_391, %get3A_392, %get3A_393] : memref<2x1024x1024xf32, #tpu.memory_space<vmem>>, vector<1x1x1024xf32>
      %get3A_395 = vector.shape_cast %get3A_394 : vector<1x1x1024xf32> to vector<1x1024xf32>
      %get3A_396 = arith.constant 1 : index
      %get3A_397 = arith.constant 0 : index
      %get3A_398 = arith.constant 0 : index
      %get3A_399 = vector.load %arg7[%get3A_396, %get3A_397, %get3A_398] : memref<2x1x1024xf32, #tpu.memory_space<vmem>>, vector<1x1x1024xf32>
      %get3A_400 = vector.shape_cast %get3A_399 : vector<1x1x1024xf32> to vector<1x1024xf32>
      %gt3A_401 = arith.constant 0.000000e+00 : f32
      %gt3A_402 = vector.broadcast %gt3A_401 : f32 to vector<1x1024xf32>
      %gt3A_403 = arith.cmpf ogt, %get3A_400, %gt3A_402 : vector<1x1024xf32>
      %jit3A_404 = arith.constant 0xFF800000 : f32
      %broadcast_in_dim3A_405 = vector.broadcast %jit3A_404 : f32 to vector<1x1024xf32>
      %select_n3A_406 = arith.select %gt3A_403, %broadcast_in_dim3A_405, %get3A_395 : vector<1x1024xi1>, vector<1x1024xf32>
      %reduce_max3A_407 = vector.shape_cast %select_n3A_406 : vector<1x1024xf32> to vector<1x1x1024xf32>
      %reduce_max3A_408 = arith.constant dense<0xFF800000> : vector<1xf32>
      %reduce_max3A_409 = vector.multi_reduction <maximumf>, %reduce_max3A_407, %reduce_max3A_408 [1, 2] : vector<1x1x1024xf32> to vector<1xf32>
      %reduce_max3A_410 = vector.shape_cast %reduce_max3A_409 : vector<1xf32> to vector<1x1x1xf32>
      %reduce_max3A_411 = vector.extract %reduce_max3A_410[0, 0, 0] : f32 from vector<1x1x1xf32>
      %eq3A_412 = vector.broadcast %reduce_max3A_411 : f32 to vector<1x1024xf32>
      %eq3A_413 = arith.cmpf oeq, %select_n3A_406, %eq3A_412 : vector<1x1024xf32>
      %broadcast_in_dim3A_414 = vector.broadcast %while3A : i32 to vector<1x1024xi32>
      %select_n3A_415 = arith.select %eq3A_413, %iota3A, %broadcast_in_dim3A_414 : vector<1x1024xi1>, vector<1x1024xi32>
      %reduce_min3A_416 = vector.shape_cast %select_n3A_415 : vector<1x1024xi32> to vector<1x1x1024xi32>
      %reduce_min3A_417 = arith.constant dense<2147483647> : vector<1xi32>
      %reduce_min3A_418 = vector.multi_reduction <minsi>, %reduce_min3A_416, %reduce_min3A_417 [1, 2] : vector<1x1x1024xi32> to vector<1xi32>
      %reduce_min3A_419 = vector.shape_cast %reduce_min3A_418 : vector<1xi32> to vector<1x1x1xi32>
      %reduce_min3A_420 = vector.extract %reduce_min3A_419[0, 0, 0] : i32 from vector<1x1x1xi32>
      %eq3A_421 = arith.cmpf oeq, %reduce_max3A_411, %reduce_max3A_381 : f32
      %lt3A_422 = arith.constant 256 : i32
      %lt3A_423 = arith.cmpi slt, %while3A_275, %lt3A_422 : i32
      %and3A_424 = arith.andi %eq3A_421, %lt3A_423 : i1
      %eq3A_425 = vector.broadcast %reduce_min3A_390 : i32 to vector<1x1024xi32>
      %eq3A_426 = arith.cmpi eq, %iota3A, %eq3A_425 : vector<1x1024xi32>
      %jit3A_427 = arith.constant 0xFF800000 : f32
      %select_n3A_428 = arith.select %and3A_424, %jit3A_427, %reduce_max3A_411 : f32
      %broadcast_in_dim3A_429 = vector.broadcast %select_n3A_428 : f32 to vector<1x1024xf32>
      %select_n3A_430 = arith.select %eq3A_426, %broadcast_in_dim3A_429, %get3A_376 : vector<1x1024xi1>, vector<1x1024xf32>
      %swap3A_431 = arith.constant 1 : index
      %swap3A_432 = arith.constant 0 : index
      %swap3A_433 = arith.constant 0 : index
      %swap3A_434 = vector.load %arg6[%swap3A_431, %swap3A_432, %swap3A_433] : memref<2x1x1024xf32, #tpu.memory_space<vmem>>, vector<1x1x1024xf32>
      %swap3A_435 = vector.shape_cast %swap3A_434 : vector<1x1x1024xf32> to vector<1x1024xf32>
      %swap3A_436 = vector.shape_cast %select_n3A_430 : vector<1x1024xf32> to vector<1x1x1024xf32>
      tpu.vector_store %arg6[%swap3A_431, %swap3A_432, %swap3A_433], %swap3A_436 {strides = array<i32>} : memref<2x1x1024xf32, #tpu.memory_space<vmem>>, vector<1x1x1024xf32>,
      %eq3A_437 = vector.broadcast %reduce_min3A_420 : i32 to vector<1x1024xi32>
      %eq3A_438 = arith.cmpi eq, %iota3A, %eq3A_437 : vector<1x1024xi32>
      %and3A_439 = vector.broadcast %and3A_424 : i1 to vector<1x1024xi1>
      %and3A_440 = arith.andi %eq3A_438, %and3A_439 : vector<1x1024xi1>
      %jit3A_441 = arith.constant 1.000000e+00 : f32
      %broadcast_in_dim3A_442 = vector.broadcast %jit3A_441 : f32 to vector<1x1024xf32>
      %select_n3A_443 = arith.select %and3A_440, %broadcast_in_dim3A_442, %get3A_400 : vector<1x1024xi1>, vector<1x1024xf32>
      %swap3A_444 = arith.constant 1 : index
      %swap3A_445 = arith.constant 0 : index
      %swap3A_446 = arith.constant 0 : index
      %swap3A_447 = vector.load %arg7[%swap3A_444, %swap3A_445, %swap3A_446] : memref<2x1x1024xf32, #tpu.memory_space<vmem>>, vector<1x1x1024xf32>
      %swap3A_448 = vector.shape_cast %swap3A_447 : vector<1x1x1024xf32> to vector<1x1024xf32>
      %swap3A_449 = vector.shape_cast %select_n3A_443 : vector<1x1024xf32> to vector<1x1x1024xf32>
      tpu.vector_store %arg7[%swap3A_444, %swap3A_445, %swap3A_446], %swap3A_449 {strides = array<i32>} : memref<2x1x1024xf32, #tpu.memory_space<vmem>>, vector<1x1x1024xf32>,
      %eq3A_450 = vector.broadcast %reduce_min3A_420 : i32 to vector<1x1024xi32>
      %eq3A_451 = arith.cmpi eq, %iota3A, %eq3A_450 : vector<1x1024xi32>
      %and3A_452 = vector.broadcast %and3A_424 : i1 to vector<1x1024xi1>
      %and3A_453 = arith.andi %eq3A_451, %and3A_452 : vector<1x1024xi1>
      %get3A_454 = arith.constant 1 : index
      %get3A_455 = arith.constant 0 : index
      %get3A_456 = arith.constant 0 : index
      %get3A_457 = vector.load %arg4[%get3A_454, %get3A_455, %get3A_456] : memref<2x1x1024xi32, #tpu.memory_space<vmem>>, vector<1x1x1024xi32>
      %get3A_458 = vector.shape_cast %get3A_457 : vector<1x1x1024xi32> to vector<1x1024xi32>
      %broadcast_in_dim3A_459 = vector.broadcast %reduce_min3A_390 : i32 to vector<1x1024xi32>
      %select_n3A_460 = arith.select %and3A_453, %broadcast_in_dim3A_459, %get3A_458 : vector<1x1024xi1>, vector<1x1024xi32>
      %swap3A_461 = arith.constant 1 : index
      %swap3A_462 = arith.constant 0 : index
      %swap3A_463 = arith.constant 0 : index
      %swap3A_464 = vector.load %arg4[%swap3A_461, %swap3A_462, %swap3A_463] : memref<2x1x1024xi32, #tpu.memory_space<vmem>>, vector<1x1x1024xi32>
      %swap3A_465 = vector.shape_cast %swap3A_464 : vector<1x1x1024xi32> to vector<1x1024xi32>
      %swap3A_466 = vector.shape_cast %select_n3A_460 : vector<1x1024xi32> to vector<1x1x1024xi32>
      tpu.vector_store %arg4[%swap3A_461, %swap3A_462, %swap3A_463], %swap3A_466 {strides = array<i32>} : memref<2x1x1024xi32, #tpu.memory_space<vmem>>, vector<1x1x1024xi32>,
      %convert_element_type3A_467 = arith.extui %and3A_424 : i1 to i32
      %add3A_468 = arith.addi %while3A_275, %convert_element_type3A_467 : i32
      scf.yield %add3A_371, %add3A_468 : i32, i32
    }
    %iota3A_121 = tpu.iota {dimensions = array<i32: 0>} : vector<1024x1024xi32>
    %get3A_122 = arith.constant 0 : index
    %get3A_123 = arith.constant 0 : index
    %get3A_124 = arith.constant 0 : index
    %get3A_125 = vector.load %arg7[%get3A_122, %get3A_123, %get3A_124] : memref<2x1x1024xf32, #tpu.memory_space<vmem>>, vector<1x1x1024xf32>
    %get3A_126 = vector.shape_cast %get3A_125 : vector<1x1x1024xf32> to vector<1x1024xf32>
    %broadcast_in_dim3A_127 = arith.constant 0.000000e+00 : f32
    %broadcast_in_dim3A_128 = vector.broadcast %broadcast_in_dim3A_127 : f32 to vector<1x1024xf32>
    %swap3A_129 = arith.constant 0 : index
    %swap3A_130 = arith.constant 0 : index
    %swap3A_131 = arith.constant 0 : index
    %swap3A_132 = vector.load %arg3[%swap3A_129, %swap3A_130, %swap3A_131] : memref<2x1x2048xf32, #tpu.memory_space<vmem>>, vector<1x1x1024xf32>
    %swap3A_133 = vector.shape_cast %swap3A_132 : vector<1x1x1024xf32> to vector<1x1024xf32>
    %swap3A_134 = vector.shape_cast %broadcast_in_dim3A_128 : vector<1x1024xf32> to vector<1x1x1024xf32>
    tpu.vector_store %arg3[%swap3A_129, %swap3A_130, %swap3A_131], %swap3A_134 {strides = array<i32>} : memref<2x1x2048xf32, #tpu.memory_space<vmem>>, vector<1x1x1024xf32>,
    %gt3A = arith.constant 0.000000e+00 : f32
    %gt3A_135 = vector.broadcast %gt3A : f32 to vector<1x1024xf32>
    %gt3A_136 = arith.cmpf ogt, %get3A_126, %gt3A_135 : vector<1x1024xf32>
    %jit3A = arith.constant 0xFF800000 : f32
    %jit3A_137 = arith.constant 0.000000e+00 : f32
    %broadcast_in_dim3A_138 = vector.broadcast %jit3A : f32 to vector<1x1024xf32>
    %broadcast_in_dim3A_139 = vector.broadcast %jit3A_137 : f32 to vector<1x1024xf32>
    %select_n3A = arith.select %gt3A_136, %broadcast_in_dim3A_138, %broadcast_in_dim3A_139 : vector<1x1024xi1>, vector<1x1024xf32>
    %swap3A_140 = arith.constant 0 : index
    %swap3A_141 = arith.constant 0 : index
    %swap3A_142 = arith.constant 1024 : index
    %swap3A_143 = vector.load %arg3[%swap3A_140, %swap3A_141, %swap3A_142] : memref<2x1x2048xf32, #tpu.memory_space<vmem>>, vector<1x1x1024xf32>
    %swap3A_144 = vector.shape_cast %swap3A_143 : vector<1x1x1024xf32> to vector<1x1024xf32>
    %swap3A_145 = vector.shape_cast %select_n3A : vector<1x1024xf32> to vector<1x1x1024xf32>
    tpu.vector_store %arg3[%swap3A_140, %swap3A_141, %swap3A_142], %swap3A_145 {strides = array<i32>} : memref<2x1x2048xf32, #tpu.memory_space<vmem>>, vector<1x1x1024xf32>,
    %get3A_146 = arith.constant 0 : index
    %get3A_147 = arith.constant 0 : index
    %get3A_148 = arith.constant 0 : index
    %get3A_149 = vector.load %arg4[%get3A_146, %get3A_147, %get3A_148] : memref<2x1x1024xi32, #tpu.memory_space<vmem>>, vector<1x1x1024xi32>
    %get3A_150 = vector.shape_cast %get3A_149 : vector<1x1x1024xi32> to vector<1x1024xi32>
    %eq3A = vector.broadcast %get3A_150 : vector<1x1024xi32> to vector<1024x1024xi32>
    %eq3A_151 = arith.cmpi eq, %iota3A_121, %eq3A : vector<1024x1024xi32>
    %lt3A = arith.constant 1024 : i32
    %lt3A_152 = vector.broadcast %lt3A : i32 to vector<1x1024xi32>
    %lt3A_153 = arith.cmpi slt, %get3A_150, %lt3A_152 : vector<1x1024xi32>
    %and3A = vector.broadcast %lt3A_153 : vector<1x1024xi1> to vector<1024x1024xi1>
    %and3A_154 = arith.andi %eq3A_151, %and3A : vector<1024x1024xi1>
    %convert_element_type3A = arith.extui %and3A_154 : vector<1024x1024xi1> to vector<1024x1024xi32>
    %convert_element_type3A_155 = arith.sitofp %convert_element_type3A : vector<1024x1024xi32> to vector<1024x1024xf32>
    %get3A_156 = arith.constant 0 : index
    %get3A_157 = arith.constant 0 : index
    %get3A_158 = arith.constant 0 : index
    %get3A_159 = vector.load %arg0[%get3A_156, %get3A_157, %get3A_158] : memref<2x1024x1024xf32, #tpu.memory_space<vmem>>, vector<1x1024x1024xf32>
    %get3A_160 = vector.shape_cast %get3A_159 : vector<1x1024x1024xf32> to vector<1024x1024xf32>
    %get3A_161 = arith.constant 0 : index
    %get3A_162 = arith.constant 0 : index
    %get3A_163 = arith.constant 0 : index
    %get3A_164 = vector.load %arg1[%get3A_161, %get3A_162, %get3A_163] : memref<2x1024x1024xf32, #tpu.memory_space<vmem>>, vector<1x1024x1024xf32>
    %get3A_165 = vector.shape_cast %get3A_164 : vector<1x1024x1024xf32> to vector<1024x1024xf32>
    %dot_general3A_166 = arith.constant dense<0.000000e+00> : vector<1024x1024xf32>
    %dot_general3A_167 = tpu.matmul %convert_element_type3A_155, %get3A_165, %dot_general3A_166 {dimension_numbers = #tpu.dot_dimension_numbers<[1], [0], [0], [1], [0, 0, 1, 1], [], []>, transpose_lhs_hint = false} : vector<1024x1024xf32>, vector<1024x1024xf32>, vector<1024x1024xf32> -> vector<1024x1024xf32>
    %reduce_sum3A_168 = arith.constant dense<0.000000e+00> : vector<1024xf32>
    %reduce_sum3A_169 = vector.multi_reduction <add>, %convert_element_type3A_155, %reduce_sum3A_168 [1] : vector<1024x1024xf32> to vector<1024xf32>
    %broadcast_in_dim3A_170 = vector.shape_cast %reduce_sum3A_169 : vector<1024xf32> to vector<1024x1xf32>
    %mul3A_171 = arith.constant 5.000000e-01 : f32
    %mul3A_172 = vector.broadcast %mul3A_171 : f32 to vector<1024x1xf32>
    %mul3A_173 = arith.mulf %mul3A_172, %broadcast_in_dim3A_170 : vector<1024x1xf32>
    %sub3A = arith.constant 1.000000e+00 : f32
    %sub3A_174 = vector.broadcast %sub3A : f32 to vector<1024x1xf32>
    %sub3A_175 = arith.subf %sub3A_174, %mul3A_173 : vector<1024x1xf32>
    %mul3A_176 = vector.broadcast %sub3A_175 : vector<1024x1xf32> to vector<1024x1024xf32>
    %mul3A_177 = arith.mulf %get3A_160, %mul3A_176 : vector<1024x1024xf32>
    %mul3A_178 = arith.constant 5.000000e-01 : f32
    %mul3A_179 = vector.broadcast %mul3A_178 : f32 to vector<1024x1024xf32>
    %mul3A_180 = arith.mulf %mul3A_179, %dot_general3A_167 : vector<1024x1024xf32>
    %add3A_181 = arith.addf %mul3A_177, %mul3A_180 : vector<1024x1024xf32>
    %swap3A_182 = arith.constant 0 : index
    %swap3A_183 = arith.constant 0 : index
    %swap3A_184 = arith.constant 0 : index
    %swap3A_185 = vector.load %arg2[%swap3A_182, %swap3A_183, %swap3A_184] : memref<2x2048x1024xf32, #tpu.memory_space<vmem>>, vector<1x1024x1024xf32>
    %swap3A_186 = vector.shape_cast %swap3A_185 : vector<1x1024x1024xf32> to vector<1024x1024xf32>
    %swap3A_187 = vector.shape_cast %add3A_181 : vector<1024x1024xf32> to vector<1x1024x1024xf32>
    tpu.vector_store %arg2[%swap3A_182, %swap3A_183, %swap3A_184], %swap3A_187 {strides = array<i32>} : memref<2x2048x1024xf32, #tpu.memory_space<vmem>>, vector<1x1024x1024xf32>,
    %swap3A_188 = arith.constant 0 : index
    %swap3A_189 = arith.constant 1024 : index
    %swap3A_190 = arith.constant 0 : index
    %swap3A_191 = vector.load %arg2[%swap3A_188, %swap3A_189, %swap3A_190] : memref<2x2048x1024xf32, #tpu.memory_space<vmem>>, vector<1x1024x1024xf32>
    %swap3A_192 = vector.shape_cast %swap3A_191 : vector<1x1024x1024xf32> to vector<1024x1024xf32>
    %swap3A_193 = vector.shape_cast %get3A_165 : vector<1024x1024xf32> to vector<1x1024x1024xf32>
    tpu.vector_store %arg2[%swap3A_188, %swap3A_189, %swap3A_190], %swap3A_193 {strides = array<i32>} : memref<2x2048x1024xf32, #tpu.memory_space<vmem>>, vector<1x1024x1024xf32>,
    %get3A_194 = arith.constant 1 : index
    %get3A_195 = arith.constant 0 : index
    %get3A_196 = arith.constant 0 : index
    %get3A_197 = vector.load %arg7[%get3A_194, %get3A_195, %get3A_196] : memref<2x1x1024xf32, #tpu.memory_space<vmem>>, vector<1x1x1024xf32>
    %get3A_198 = vector.shape_cast %get3A_197 : vector<1x1x1024xf32> to vector<1x1024xf32>
    %broadcast_in_dim3A_199 = arith.constant 0.000000e+00 : f32
    %broadcast_in_dim3A_200 = vector.broadcast %broadcast_in_dim3A_199 : f32 to vector<1x1024xf32>
    %swap3A_201 = arith.constant 1 : index
    %swap3A_202 = arith.constant 0 : index
    %swap3A_203 = arith.constant 0 : index
    %swap3A_204 = vector.load %arg3[%swap3A_201, %swap3A_202, %swap3A_203] : memref<2x1x2048xf32, #tpu.memory_space<vmem>>, vector<1x1x1024xf32>
    %swap3A_205 = vector.shape_cast %swap3A_204 : vector<1x1x1024xf32> to vector<1x1024xf32>
    %swap3A_206 = vector.shape_cast %broadcast_in_dim3A_200 : vector<1x1024xf32> to vector<1x1x1024xf32>
    tpu.vector_store %arg3[%swap3A_201, %swap3A_202, %swap3A_203], %swap3A_206 {strides = array<i32>} : memref<2x1x2048xf32, #tpu.memory_space<vmem>>, vector<1x1x1024xf32>,
    %gt3A_207 = arith.constant 0.000000e+00 : f32
    %gt3A_208 = vector.broadcast %gt3A_207 : f32 to vector<1x1024xf32>
    %gt3A_209 = arith.cmpf ogt, %get3A_198, %gt3A_208 : vector<1x1024xf32>
    %jit3A_210 = arith.constant 0xFF800000 : f32
    %jit3A_211 = arith.constant 0.000000e+00 : f32
    %broadcast_in_dim3A_212 = vector.broadcast %jit3A_210 : f32 to vector<1x1024xf32>
    %broadcast_in_dim3A_213 = vector.broadcast %jit3A_211 : f32 to vector<1x1024xf32>
    %select_n3A_214 = arith.select %gt3A_209, %broadcast_in_dim3A_212, %broadcast_in_dim3A_213 : vector<1x1024xi1>, vector<1x1024xf32>
    %swap3A_215 = arith.constant 1 : index
    %swap3A_216 = arith.constant 0 : index
    %swap3A_217 = arith.constant 1024 : index
    %swap3A_218 = vector.load %arg3[%swap3A_215, %swap3A_216, %swap3A_217] : memref<2x1x2048xf32, #tpu.memory_space<vmem>>, vector<1x1x1024xf32>
    %swap3A_219 = vector.shape_cast %swap3A_218 : vector<1x1x1024xf32> to vector<1x1024xf32>
    %swap3A_220 = vector.shape_cast %select_n3A_214 : vector<1x1024xf32> to vector<1x1x1024xf32>
    tpu.vector_store %arg3[%swap3A_215, %swap3A_216, %swap3A_217], %swap3A_220 {strides = array<i32>} : memref<2x1x2048xf32, #tpu.memory_space<vmem>>, vector<1x1x1024xf32>,
    %get3A_221 = arith.constant 1 : index
    %get3A_222 = arith.constant 0 : index
    %get3A_223 = arith.constant 0 : index
    %get3A_224 = vector.load %arg4[%get3A_221, %get3A_222, %get3A_223] : memref<2x1x1024xi32, #tpu.memory_space<vmem>>, vector<1x1x1024xi32>
    %get3A_225 = vector.shape_cast %get3A_224 : vector<1x1x1024xi32> to vector<1x1024xi32>
    %eq3A_226 = vector.broadcast %get3A_225 : vector<1x1024xi32> to vector<1024x1024xi32>
    %eq3A_227 = arith.cmpi eq, %iota3A_121, %eq3A_226 : vector<1024x1024xi32>
    %lt3A_228 = arith.constant 1024 : i32
    %lt3A_229 = vector.broadcast %lt3A_228 : i32 to vector<1x1024xi32>
    %lt3A_230 = arith.cmpi slt, %get3A_225, %lt3A_229 : vector<1x1024xi32>
    %and3A_231 = vector.broadcast %lt3A_230 : vector<1x1024xi1> to vector<1024x1024xi1>
    %and3A_232 = arith.andi %eq3A_227, %and3A_231 : vector<1024x1024xi1>
    %convert_element_type3A_233 = arith.extui %and3A_232 : vector<1024x1024xi1> to vector<1024x1024xi32>
    %convert_element_type3A_234 = arith.sitofp %convert_element_type3A_233 : vector<1024x1024xi32> to vector<1024x1024xf32>
    %get3A_235 = arith.constant 1 : index
    %get3A_236 = arith.constant 0 : index
    %get3A_237 = arith.constant 0 : index
    %get3A_238 = vector.load %arg0[%get3A_235, %get3A_236, %get3A_237] : memref<2x1024x1024xf32, #tpu.memory_space<vmem>>, vector<1x1024x1024xf32>
    %get3A_239 = vector.shape_cast %get3A_238 : vector<1x1024x1024xf32> to vector<1024x1024xf32>
    %get3A_240 = arith.constant 1 : index
    %get3A_241 = arith.constant 0 : index
    %get3A_242 = arith.constant 0 : index
    %get3A_243 = vector.load %arg1[%get3A_240, %get3A_241, %get3A_242] : memref<2x1024x1024xf32, #tpu.memory_space<vmem>>, vector<1x1024x1024xf32>
    %get3A_244 = vector.shape_cast %get3A_243 : vector<1x1024x1024xf32> to vector<1024x1024xf32>
    %dot_general3A_245 = arith.constant dense<0.000000e+00> : vector<1024x1024xf32>
    %dot_general3A_246 = tpu.matmul %convert_element_type3A_234, %get3A_244, %dot_general3A_245 {dimension_numbers = #tpu.dot_dimension_numbers<[1], [0], [0], [1], [0, 0, 1, 1], [], []>, transpose_lhs_hint = false} : vector<1024x1024xf32>, vector<1024x1024xf32>, vector<1024x1024xf32> -> vector<1024x1024xf32>
    %reduce_sum3A_247 = arith.constant dense<0.000000e+00> : vector<1024xf32>
    %reduce_sum3A_248 = vector.multi_reduction <add>, %convert_element_type3A_234, %reduce_sum3A_247 [1] : vector<1024x1024xf32> to vector<1024xf32>
    %broadcast_in_dim3A_249 = vector.shape_cast %reduce_sum3A_248 : vector<1024xf32> to vector<1024x1xf32>
    %mul3A_250 = arith.constant 5.000000e-01 : f32
    %mul3A_251 = vector.broadcast %mul3A_250 : f32 to vector<1024x1xf32>
    %mul3A_252 = arith.mulf %mul3A_251, %broadcast_in_dim3A_249 : vector<1024x1xf32>
    %sub3A_253 = arith.constant 1.000000e+00 : f32
    %sub3A_254 = vector.broadcast %sub3A_253 : f32 to vector<1024x1xf32>
    %sub3A_255 = arith.subf %sub3A_254, %mul3A_252 : vector<1024x1xf32>
    %mul3A_256 = vector.broadcast %sub3A_255 : vector<1024x1xf32> to vector<1024x1024xf32>
    %mul3A_257 = arith.mulf %get3A_239, %mul3A_256 : vector<1024x1024xf32>
    %mul3A_258 = arith.constant 5.000000e-01 : f32
    %mul3A_259 = vector.broadcast %mul3A_258 : f32 to vector<1024x1024xf32>
    %mul3A_260 = arith.mulf %mul3A_259, %dot_general3A_246 : vector<1024x1024xf32>
    %add3A_261 = arith.addf %mul3A_257, %mul3A_260 : vector<1024x1024xf32>
    %swap3A_262 = arith.constant 1 : index
    %swap3A_263 = arith.constant 0 : index
    %swap3A_264 = arith.constant 0 : index
    %swap3A_265 = vector.load %arg2[%swap3A_262, %swap3A_263, %swap3A_264] : memref<2x2048x1024xf32, #tpu.memory_space<vmem>>, vector<1x1024x1024xf32>
    %swap3A_266 = vector.shape_cast %swap3A_265 : vector<1x1024x1024xf32> to vector<1024x1024xf32>
    %swap3A_267 = vector.shape_cast %add3A_261 : vector<1024x1024xf32> to vector<1x1024x1024xf32>
    tpu.vector_store %arg2[%swap3A_262, %swap3A_263, %swap3A_264], %swap3A_267 {strides = array<i32>} : memref<2x2048x1024xf32, #tpu.memory_space<vmem>>, vector<1x1024x1024xf32>,
    %swap3A_268 = arith.constant 1 : index
    %swap3A_269 = arith.constant 1024 : index
    %swap3A_270 = arith.constant 0 : index
    %swap3A_271 = vector.load %arg2[%swap3A_268, %swap3A_269, %swap3A_270] : memref<2x2048x1024xf32, #tpu.memory_space<vmem>>, vector<1x1024x1024xf32>
    %swap3A_272 = vector.shape_cast %swap3A_271 : vector<1x1024x1024xf32> to vector<1024x1024xf32>
    %swap3A_273 = vector.shape_cast %get3A_244 : vector<1024x1024xf32> to vector<1x1024x1024xf32>
    tpu.vector_store %arg2[%swap3A_268, %swap3A_269, %swap3A_270], %swap3A_273 {strides = array<i32>} : memref<2x2048x1024xf32, #tpu.memory_space<vmem>>, vector<1x1024x1024xf32>,
    return
  }
}

module attributes {stable_mosaic.version = 14 : i64} {
  func.func @_qkv_body(%arg0: i32, %arg1: i32, %arg2: memref<1x2048x1024xf32, #tpu.memory_space<vmem>>, %arg3: memref<1x1024x1024xbf16, #tpu.memory_space<vmem>>, %arg4: memref<1x2048x1024xbf16, #tpu.memory_space<vmem>>) attributes {dimension_semantics = [#tpu.dimension_semantics<arbitrary>, #tpu.dimension_semantics<arbitrary>], iteration_bounds = array<i64: 2, 3>, scalar_prefetch = 0 : i64, scratch_operands = 0 : i64, tpu.core_type = #tpu.core_type<tc>, window_params = [{transform_indices = @transform_0, window_bounds = array<i64: 1, 2048, 1024>}, {transform_indices = @transform_1, window_bounds = array<i64: 1, 1024, 1024>}, {transform_indices = @transform_2, window_bounds = array<i64: 1, 2048, 1024>}]} {
    %get3A = arith.constant 0 : index
    %get3A_0 = arith.constant 0 : index
    %get3A_1 = arith.constant 0 : index
    %get3A_2 = vector.load %arg2[%get3A, %get3A_0, %get3A_1] : memref<1x2048x1024xf32, #tpu.memory_space<vmem>>, vector<1x2048x1024xf32>
    %get3A_3 = vector.shape_cast %get3A_2 : vector<1x2048x1024xf32> to vector<2048x1024xf32>
    %convert_element_type3A = arith.truncf %get3A_3 : vector<2048x1024xf32> to vector<2048x1024xbf16>
    %get3A_4 = arith.constant 0 : index
    %get3A_5 = arith.constant 0 : index
    %get3A_6 = arith.constant 0 : index
    %get3A_7 = vector.load %arg3[%get3A_4, %get3A_5, %get3A_6] : memref<1x1024x1024xbf16, #tpu.memory_space<vmem>>, vector<1x1024x1024xbf16>
    %get3A_8 = vector.shape_cast %get3A_7 : vector<1x1024x1024xbf16> to vector<1024x1024xbf16>
    %dot_general3A = arith.constant dense<0.000000e+00> : vector<2048x1024xf32>
    %dot_general3A_9 = tpu.matmul %convert_element_type3A, %get3A_8, %dot_general3A {dimension_numbers = #tpu.dot_dimension_numbers<[1], [1], [0], [0], [0, 0, 1, 0], [], []>, transpose_lhs_hint = false} : vector<2048x1024xbf16>, vector<1024x1024xbf16>, vector<2048x1024xf32> -> vector<2048x1024xf32>
    %convert_element_type3A_10 = arith.truncf %dot_general3A_9 : vector<2048x1024xf32> to vector<2048x1024xbf16>
    %swap3A = arith.constant 0 : index
    %swap3A_11 = arith.constant 0 : index
    %swap3A_12 = arith.constant 0 : index
    %swap3A_13 = vector.load %arg4[%swap3A, %swap3A_11, %swap3A_12] : memref<1x2048x1024xbf16, #tpu.memory_space<vmem>>, vector<1x2048x1024xbf16>
    %swap3A_14 = vector.shape_cast %swap3A_13 : vector<1x2048x1024xbf16> to vector<2048x1024xbf16>
    %swap3A_15 = vector.shape_cast %convert_element_type3A_10 : vector<2048x1024xbf16> to vector<1x2048x1024xbf16>
    tpu.vector_store %arg4[%swap3A, %swap3A_11, %swap3A_12], %swap3A_15 {strides = array<i32>} : memref<1x2048x1024xbf16, #tpu.memory_space<vmem>>, vector<1x2048x1024xbf16>,
    return
  }
  func.func @transform_0(%arg0: i32, %arg1: i32) -> (i32, i32, i32) {
    %c0_i32 = arith.constant 0 : i32
    %c0_i32_0 = arith.constant 0 : i32
    %c0_i32_1 = arith.constant 0 : i32
    return %arg0, %c0_i32, %c0_i32_0 : i32, i32, i32
  }
  func.func @transform_1(%arg0: i32, %arg1: i32) -> (i32, i32, i32) {
    %c0_i32 = arith.constant 0 : i32
    %c0_i32_0 = arith.constant 0 : i32
    %c0_i32_1 = arith.constant 0 : i32
    return %arg1, %c0_i32, %c0_i32_0 : i32, i32, i32
  }
  func.func @transform_2(%arg0: i32, %arg1: i32) -> (i32, i32, i32) {
    %c0_i32 = arith.constant 0 : i32
    %c0_i32_0 = arith.constant 0 : i32
    return %arg0, %c0_i32, %arg1 : i32, i32, i32
  }
}

module attributes {stable_mosaic.version = 14 : i64} {
  func.func @_attn_body(%arg0: i32, %arg1: i32, %arg2: memref<1x1x2048x64xbf16, #tpu.memory_space<vmem>>, %arg3: memref<1x1x2048x64xbf16, #tpu.memory_space<vmem>>, %arg4: memref<1x1x2048x64xbf16, #tpu.memory_space<vmem>>, %arg5: memref<1x1x2048xf32, #tpu.memory_space<vmem>>, %arg6: memref<1x1x2048x64xbf16, #tpu.memory_space<vmem>>) attributes {dimension_semantics = [#tpu.dimension_semantics<arbitrary>, #tpu.dimension_semantics<arbitrary>], iteration_bounds = array<i64: 2, 16>, scalar_prefetch = 0 : i64, scratch_operands = 0 : i64, tpu.core_type = #tpu.core_type<tc>, window_params = [{transform_indices = @transform_0, window_bounds = array<i64: 1, 1, 2048, 64>}, {transform_indices = @transform_1, window_bounds = array<i64: 1, 1, 2048, 64>}, {transform_indices = @transform_2, window_bounds = array<i64: 1, 1, 2048, 64>}, {transform_indices = @transform_3, window_bounds = array<i64: 1, 1, 2048>}, {transform_indices = @transform_4, window_bounds = array<i64: 1, 1, 2048, 64>}]} {
    %get3A = arith.constant 0 : index
    %get3A_0 = arith.constant 0 : index
    %get3A_1 = arith.constant 0 : index
    %get3A_2 = arith.constant 0 : index
    %get3A_3 = vector.load %arg2[%get3A, %get3A_0, %get3A_1, %get3A_2] : memref<1x1x2048x64xbf16, #tpu.memory_space<vmem>>, vector<1x1x2048x64xbf16>
    %get3A_4 = vector.shape_cast %get3A_3 : vector<1x1x2048x64xbf16> to vector<2048x64xbf16>
    %get3A_5 = arith.constant 0 : index
    %get3A_6 = arith.constant 0 : index
    %get3A_7 = arith.constant 0 : index
    %get3A_8 = arith.constant 0 : index
    %get3A_9 = vector.load %arg3[%get3A_5, %get3A_6, %get3A_7, %get3A_8] : memref<1x1x2048x64xbf16, #tpu.memory_space<vmem>>, vector<1x1x2048x64xbf16>
    %get3A_10 = vector.shape_cast %get3A_9 : vector<1x1x2048x64xbf16> to vector<2048x64xbf16>
    %get3A_11 = arith.constant 0 : index
    %get3A_12 = arith.constant 0 : index
    %get3A_13 = arith.constant 0 : index
    %get3A_14 = arith.constant 0 : index
    %get3A_15 = vector.load %arg4[%get3A_11, %get3A_12, %get3A_13, %get3A_14] : memref<1x1x2048x64xbf16, #tpu.memory_space<vmem>>, vector<1x1x2048x64xbf16>
    %get3A_16 = vector.shape_cast %get3A_15 : vector<1x1x2048x64xbf16> to vector<2048x64xbf16>
    %get3A_17 = arith.constant 0 : index
    %get3A_18 = arith.constant 0 : index
    %get3A_19 = arith.constant 0 : index
    %get3A_20 = vector.load %arg5[%get3A_17, %get3A_18, %get3A_19] : memref<1x1x2048xf32, #tpu.memory_space<vmem>>, vector<1x1x2048xf32>
    %get3A_21 = vector.shape_cast %get3A_20 : vector<1x1x2048xf32> to vector<1x2048xf32>
    %slice3A = vector.extract_strided_slice %get3A_4 {offsets = [0, 0], sizes = [512, 64], strides = [1, 1]} : vector<2048x64xbf16> to vector<512x64xbf16>
    %dot_general3A = arith.constant dense<0.000000e+00> : vector<512x2048xf32>
    %dot_general3A_22 = tpu.matmul %slice3A, %get3A_10, %dot_general3A {dimension_numbers = #tpu.dot_dimension_numbers<[1], [1], [0], [0], [0, 0, 1, 0], [], []>, transpose_lhs_hint = false} : vector<512x64xbf16>, vector<2048x64xbf16>, vector<512x2048xf32> -> vector<512x2048xf32>
    %mul3A = arith.constant 1.250000e-01 : f32
    %mul3A_23 = vector.broadcast %mul3A : f32 to vector<512x2048xf32>
    %mul3A_24 = arith.mulf %dot_general3A_22, %mul3A_23 : vector<512x2048xf32>
    %add3A = vector.broadcast %get3A_21 : vector<1x2048xf32> to vector<512x2048xf32>
    %add3A_25 = arith.addf %mul3A_24, %add3A : vector<512x2048xf32>
    %reduce_max3A = arith.constant dense<0xFF800000> : vector<512xf32>
    %reduce_max3A_26 = vector.multi_reduction <maximumf>, %add3A_25, %reduce_max3A [1] : vector<512x2048xf32> to vector<512xf32>
    %broadcast_in_dim3A = vector.shape_cast %reduce_max3A_26 : vector<512xf32> to vector<512x1xf32>
    %sub3A = vector.broadcast %broadcast_in_dim3A : vector<512x1xf32> to vector<512x2048xf32>
    %sub3A_27 = arith.subf %add3A_25, %sub3A : vector<512x2048xf32>
    %exp3A = math.exp %sub3A_27 : vector<512x2048xf32>
    %reduce_sum3A = arith.constant dense<0.000000e+00> : vector<512xf32>
    %reduce_sum3A_28 = vector.multi_reduction <add>, %exp3A, %reduce_sum3A [1] : vector<512x2048xf32> to vector<512xf32>
    %broadcast_in_dim3A_29 = vector.shape_cast %reduce_sum3A_28 : vector<512xf32> to vector<512x1xf32>
    %convert_element_type3A = arith.truncf %exp3A : vector<512x2048xf32> to vector<512x2048xbf16>
    %dot_general3A_30 = arith.constant dense<0.000000e+00> : vector<512x64xf32>
    %dot_general3A_31 = tpu.matmul %convert_element_type3A, %get3A_16, %dot_general3A_30 {dimension_numbers = #tpu.dot_dimension_numbers<[1], [0], [0], [1], [0, 0, 1, 1], [], []>, transpose_lhs_hint = false} : vector<512x2048xbf16>, vector<2048x64xbf16>, vector<512x64xf32> -> vector<512x64xf32>
    %div3A = arith.constant 1.000000e+00 : f32
    %div3A_32 = vector.broadcast %div3A : f32 to vector<512x1xf32>
    %div3A_33 = arith.divf %div3A_32, %broadcast_in_dim3A_29 : vector<512x1xf32>
    %mul3A_34 = vector.broadcast %div3A_33 : vector<512x1xf32> to vector<512x64xf32>
    %mul3A_35 = arith.mulf %dot_general3A_31, %mul3A_34 : vector<512x64xf32>
    %convert_element_type3A_36 = arith.truncf %mul3A_35 : vector<512x64xf32> to vector<512x64xbf16>
    %swap3A = arith.constant 0 : index
    %swap3A_37 = arith.constant 0 : index
    %swap3A_38 = arith.constant 0 : index
    %swap3A_39 = arith.constant 0 : index
    %swap3A_40 = vector.load %arg6[%swap3A, %swap3A_37, %swap3A_38, %swap3A_39] : memref<1x1x2048x64xbf16, #tpu.memory_space<vmem>>, vector<1x1x512x64xbf16>
    %swap3A_41 = vector.shape_cast %swap3A_40 : vector<1x1x512x64xbf16> to vector<512x64xbf16>
    %swap3A_42 = vector.shape_cast %convert_element_type3A_36 : vector<512x64xbf16> to vector<1x1x512x64xbf16>
    tpu.vector_store %arg6[%swap3A, %swap3A_37, %swap3A_38, %swap3A_39], %swap3A_42 {strides = array<i32>} : memref<1x1x2048x64xbf16, #tpu.memory_space<vmem>>, vector<1x1x512x64xbf16>,
    %slice3A_43 = vector.extract_strided_slice %get3A_4 {offsets = [512, 0], sizes = [512, 64], strides = [1, 1]} : vector<2048x64xbf16> to vector<512x64xbf16>
    %dot_general3A_44 = arith.constant dense<0.000000e+00> : vector<512x2048xf32>
    %dot_general3A_45 = tpu.matmul %slice3A_43, %get3A_10, %dot_general3A_44 {dimension_numbers = #tpu.dot_dimension_numbers<[1], [1], [0], [0], [0, 0, 1, 0], [], []>, transpose_lhs_hint = false} : vector<512x64xbf16>, vector<2048x64xbf16>, vector<512x2048xf32> -> vector<512x2048xf32>
    %mul3A_46 = arith.constant 1.250000e-01 : f32
    %mul3A_47 = vector.broadcast %mul3A_46 : f32 to vector<512x2048xf32>
    %mul3A_48 = arith.mulf %dot_general3A_45, %mul3A_47 : vector<512x2048xf32>
    %add3A_49 = vector.broadcast %get3A_21 : vector<1x2048xf32> to vector<512x2048xf32>
    %add3A_50 = arith.addf %mul3A_48, %add3A_49 : vector<512x2048xf32>
    %reduce_max3A_51 = arith.constant dense<0xFF800000> : vector<512xf32>
    %reduce_max3A_52 = vector.multi_reduction <maximumf>, %add3A_50, %reduce_max3A_51 [1] : vector<512x2048xf32> to vector<512xf32>
    %broadcast_in_dim3A_53 = vector.shape_cast %reduce_max3A_52 : vector<512xf32> to vector<512x1xf32>
    %sub3A_54 = vector.broadcast %broadcast_in_dim3A_53 : vector<512x1xf32> to vector<512x2048xf32>
    %sub3A_55 = arith.subf %add3A_50, %sub3A_54 : vector<512x2048xf32>
    %exp3A_56 = math.exp %sub3A_55 : vector<512x2048xf32>
    %reduce_sum3A_57 = arith.constant dense<0.000000e+00> : vector<512xf32>
    %reduce_sum3A_58 = vector.multi_reduction <add>, %exp3A_56, %reduce_sum3A_57 [1] : vector<512x2048xf32> to vector<512xf32>
    %broadcast_in_dim3A_59 = vector.shape_cast %reduce_sum3A_58 : vector<512xf32> to vector<512x1xf32>
    %convert_element_type3A_60 = arith.truncf %exp3A_56 : vector<512x2048xf32> to vector<512x2048xbf16>
    %dot_general3A_61 = arith.constant dense<0.000000e+00> : vector<512x64xf32>
    %dot_general3A_62 = tpu.matmul %convert_element_type3A_60, %get3A_16, %dot_general3A_61 {dimension_numbers = #tpu.dot_dimension_numbers<[1], [0], [0], [1], [0, 0, 1, 1], [], []>, transpose_lhs_hint = false} : vector<512x2048xbf16>, vector<2048x64xbf16>, vector<512x64xf32> -> vector<512x64xf32>
    %div3A_63 = arith.constant 1.000000e+00 : f32
    %div3A_64 = vector.broadcast %div3A_63 : f32 to vector<512x1xf32>
    %div3A_65 = arith.divf %div3A_64, %broadcast_in_dim3A_59 : vector<512x1xf32>
    %mul3A_66 = vector.broadcast %div3A_65 : vector<512x1xf32> to vector<512x64xf32>
    %mul3A_67 = arith.mulf %dot_general3A_62, %mul3A_66 : vector<512x64xf32>
    %convert_element_type3A_68 = arith.truncf %mul3A_67 : vector<512x64xf32> to vector<512x64xbf16>
    %swap3A_69 = arith.constant 0 : index
    %swap3A_70 = arith.constant 0 : index
    %swap3A_71 = arith.constant 512 : index
    %swap3A_72 = arith.constant 0 : index
    %swap3A_73 = vector.load %arg6[%swap3A_69, %swap3A_70, %swap3A_71, %swap3A_72] : memref<1x1x2048x64xbf16, #tpu.memory_space<vmem>>, vector<1x1x512x64xbf16>
    %swap3A_74 = vector.shape_cast %swap3A_73 : vector<1x1x512x64xbf16> to vector<512x64xbf16>
    %swap3A_75 = vector.shape_cast %convert_element_type3A_68 : vector<512x64xbf16> to vector<1x1x512x64xbf16>
    tpu.vector_store %arg6[%swap3A_69, %swap3A_70, %swap3A_71, %swap3A_72], %swap3A_75 {strides = array<i32>} : memref<1x1x2048x64xbf16, #tpu.memory_space<vmem>>, vector<1x1x512x64xbf16>,
    %slice3A_76 = vector.extract_strided_slice %get3A_4 {offsets = [1024, 0], sizes = [512, 64], strides = [1, 1]} : vector<2048x64xbf16> to vector<512x64xbf16>
    %dot_general3A_77 = arith.constant dense<0.000000e+00> : vector<512x2048xf32>
    %dot_general3A_78 = tpu.matmul %slice3A_76, %get3A_10, %dot_general3A_77 {dimension_numbers = #tpu.dot_dimension_numbers<[1], [1], [0], [0], [0, 0, 1, 0], [], []>, transpose_lhs_hint = false} : vector<512x64xbf16>, vector<2048x64xbf16>, vector<512x2048xf32> -> vector<512x2048xf32>
    %mul3A_79 = arith.constant 1.250000e-01 : f32
    %mul3A_80 = vector.broadcast %mul3A_79 : f32 to vector<512x2048xf32>
    %mul3A_81 = arith.mulf %dot_general3A_78, %mul3A_80 : vector<512x2048xf32>
    %add3A_82 = vector.broadcast %get3A_21 : vector<1x2048xf32> to vector<512x2048xf32>
    %add3A_83 = arith.addf %mul3A_81, %add3A_82 : vector<512x2048xf32>
    %reduce_max3A_84 = arith.constant dense<0xFF800000> : vector<512xf32>
    %reduce_max3A_85 = vector.multi_reduction <maximumf>, %add3A_83, %reduce_max3A_84 [1] : vector<512x2048xf32> to vector<512xf32>
    %broadcast_in_dim3A_86 = vector.shape_cast %reduce_max3A_85 : vector<512xf32> to vector<512x1xf32>
    %sub3A_87 = vector.broadcast %broadcast_in_dim3A_86 : vector<512x1xf32> to vector<512x2048xf32>
    %sub3A_88 = arith.subf %add3A_83, %sub3A_87 : vector<512x2048xf32>
    %exp3A_89 = math.exp %sub3A_88 : vector<512x2048xf32>
    %reduce_sum3A_90 = arith.constant dense<0.000000e+00> : vector<512xf32>
    %reduce_sum3A_91 = vector.multi_reduction <add>, %exp3A_89, %reduce_sum3A_90 [1] : vector<512x2048xf32> to vector<512xf32>
    %broadcast_in_dim3A_92 = vector.shape_cast %reduce_sum3A_91 : vector<512xf32> to vector<512x1xf32>
    %convert_element_type3A_93 = arith.truncf %exp3A_89 : vector<512x2048xf32> to vector<512x2048xbf16>
    %dot_general3A_94 = arith.constant dense<0.000000e+00> : vector<512x64xf32>
    %dot_general3A_95 = tpu.matmul %convert_element_type3A_93, %get3A_16, %dot_general3A_94 {dimension_numbers = #tpu.dot_dimension_numbers<[1], [0], [0], [1], [0, 0, 1, 1], [], []>, transpose_lhs_hint = false} : vector<512x2048xbf16>, vector<2048x64xbf16>, vector<512x64xf32> -> vector<512x64xf32>
    %div3A_96 = arith.constant 1.000000e+00 : f32
    %div3A_97 = vector.broadcast %div3A_96 : f32 to vector<512x1xf32>
    %div3A_98 = arith.divf %div3A_97, %broadcast_in_dim3A_92 : vector<512x1xf32>
    %mul3A_99 = vector.broadcast %div3A_98 : vector<512x1xf32> to vector<512x64xf32>
    %mul3A_100 = arith.mulf %dot_general3A_95, %mul3A_99 : vector<512x64xf32>
    %convert_element_type3A_101 = arith.truncf %mul3A_100 : vector<512x64xf32> to vector<512x64xbf16>
    %swap3A_102 = arith.constant 0 : index
    %swap3A_103 = arith.constant 0 : index
    %swap3A_104 = arith.constant 1024 : index
    %swap3A_105 = arith.constant 0 : index
    %swap3A_106 = vector.load %arg6[%swap3A_102, %swap3A_103, %swap3A_104, %swap3A_105] : memref<1x1x2048x64xbf16, #tpu.memory_space<vmem>>, vector<1x1x512x64xbf16>
    %swap3A_107 = vector.shape_cast %swap3A_106 : vector<1x1x512x64xbf16> to vector<512x64xbf16>
    %swap3A_108 = vector.shape_cast %convert_element_type3A_101 : vector<512x64xbf16> to vector<1x1x512x64xbf16>
    tpu.vector_store %arg6[%swap3A_102, %swap3A_103, %swap3A_104, %swap3A_105], %swap3A_108 {strides = array<i32>} : memref<1x1x2048x64xbf16, #tpu.memory_space<vmem>>, vector<1x1x512x64xbf16>,
    %slice3A_109 = vector.extract_strided_slice %get3A_4 {offsets = [1536, 0], sizes = [512, 64], strides = [1, 1]} : vector<2048x64xbf16> to vector<512x64xbf16>
    %dot_general3A_110 = arith.constant dense<0.000000e+00> : vector<512x2048xf32>
    %dot_general3A_111 = tpu.matmul %slice3A_109, %get3A_10, %dot_general3A_110 {dimension_numbers = #tpu.dot_dimension_numbers<[1], [1], [0], [0], [0, 0, 1, 0], [], []>, transpose_lhs_hint = false} : vector<512x64xbf16>, vector<2048x64xbf16>, vector<512x2048xf32> -> vector<512x2048xf32>
    %mul3A_112 = arith.constant 1.250000e-01 : f32
    %mul3A_113 = vector.broadcast %mul3A_112 : f32 to vector<512x2048xf32>
    %mul3A_114 = arith.mulf %dot_general3A_111, %mul3A_113 : vector<512x2048xf32>
    %add3A_115 = vector.broadcast %get3A_21 : vector<1x2048xf32> to vector<512x2048xf32>
    %add3A_116 = arith.addf %mul3A_114, %add3A_115 : vector<512x2048xf32>
    %reduce_max3A_117 = arith.constant dense<0xFF800000> : vector<512xf32>
    %reduce_max3A_118 = vector.multi_reduction <maximumf>, %add3A_116, %reduce_max3A_117 [1] : vector<512x2048xf32> to vector<512xf32>
    %broadcast_in_dim3A_119 = vector.shape_cast %reduce_max3A_118 : vector<512xf32> to vector<512x1xf32>
    %sub3A_120 = vector.broadcast %broadcast_in_dim3A_119 : vector<512x1xf32> to vector<512x2048xf32>
    %sub3A_121 = arith.subf %add3A_116, %sub3A_120 : vector<512x2048xf32>
    %exp3A_122 = math.exp %sub3A_121 : vector<512x2048xf32>
    %reduce_sum3A_123 = arith.constant dense<0.000000e+00> : vector<512xf32>
    %reduce_sum3A_124 = vector.multi_reduction <add>, %exp3A_122, %reduce_sum3A_123 [1] : vector<512x2048xf32> to vector<512xf32>
    %broadcast_in_dim3A_125 = vector.shape_cast %reduce_sum3A_124 : vector<512xf32> to vector<512x1xf32>
    %convert_element_type3A_126 = arith.truncf %exp3A_122 : vector<512x2048xf32> to vector<512x2048xbf16>
    %dot_general3A_127 = arith.constant dense<0.000000e+00> : vector<512x64xf32>
    %dot_general3A_128 = tpu.matmul %convert_element_type3A_126, %get3A_16, %dot_general3A_127 {dimension_numbers = #tpu.dot_dimension_numbers<[1], [0], [0], [1], [0, 0, 1, 1], [], []>, transpose_lhs_hint = false} : vector<512x2048xbf16>, vector<2048x64xbf16>, vector<512x64xf32> -> vector<512x64xf32>
    %div3A_129 = arith.constant 1.000000e+00 : f32
    %div3A_130 = vector.broadcast %div3A_129 : f32 to vector<512x1xf32>
    %div3A_131 = arith.divf %div3A_130, %broadcast_in_dim3A_125 : vector<512x1xf32>
    %mul3A_132 = vector.broadcast %div3A_131 : vector<512x1xf32> to vector<512x64xf32>
    %mul3A_133 = arith.mulf %dot_general3A_128, %mul3A_132 : vector<512x64xf32>
    %convert_element_type3A_134 = arith.truncf %mul3A_133 : vector<512x64xf32> to vector<512x64xbf16>
    %swap3A_135 = arith.constant 0 : index
    %swap3A_136 = arith.constant 0 : index
    %swap3A_137 = arith.constant 1536 : index
    %swap3A_138 = arith.constant 0 : index
    %swap3A_139 = vector.load %arg6[%swap3A_135, %swap3A_136, %swap3A_137, %swap3A_138] : memref<1x1x2048x64xbf16, #tpu.memory_space<vmem>>, vector<1x1x512x64xbf16>
    %swap3A_140 = vector.shape_cast %swap3A_139 : vector<1x1x512x64xbf16> to vector<512x64xbf16>
    %swap3A_141 = vector.shape_cast %convert_element_type3A_134 : vector<512x64xbf16> to vector<1x1x512x64xbf16>
    tpu.vector_store %arg6[%swap3A_135, %swap3A_136, %swap3A_137, %swap3A_138], %swap3A_141 {strides = array<i32>} : memref<1x1x2048x64xbf16, #tpu.memory_space<vmem>>, vector<1x1x512x64xbf16>,
    return
  }
  func.func @transform_0(%arg0: i32, %arg1: i32) -> (i32, i32, i32, i32) {
    %c0_i32 = arith.constant 0 : i32
    %c0_i32_0 = arith.constant 0 : i32
    %c0_i32_1 = arith.constant 0 : i32
    return %arg0, %arg1, %c0_i32, %c0_i32_0 : i32, i32, i32, i32
  }
  func.func @transform_1(%arg0: i32, %arg1: i32) -> (i32, i32, i32, i32) {
    %c0_i32 = arith.constant 0 : i32
    %c0_i32_0 = arith.constant 0 : i32
    %c0_i32_1 = arith.constant 0 : i32
    return %arg0, %arg1, %c0_i32, %c0_i32_0 : i32, i32, i32, i32
  }
  func.func @transform_2(%arg0: i32, %arg1: i32) -> (i32, i32, i32, i32) {
    %c0_i32 = arith.constant 0 : i32
    %c0_i32_0 = arith.constant 0 : i32
    %c0_i32_1 = arith.constant 0 : i32
    return %arg0, %arg1, %c0_i32, %c0_i32_0 : i32, i32, i32, i32
  }
  func.func @transform_3(%arg0: i32, %arg1: i32) -> (i32, i32, i32) {
    %c0_i32 = arith.constant 0 : i32
    %c0_i32_0 = arith.constant 0 : i32
    %c0_i32_1 = arith.constant 0 : i32
    return %arg0, %c0_i32, %c0_i32_0 : i32, i32, i32
  }
  func.func @transform_4(%arg0: i32, %arg1: i32) -> (i32, i32, i32, i32) {
    %c0_i32 = arith.constant 0 : i32
    %c0_i32_0 = arith.constant 0 : i32
    %c0_i32_1 = arith.constant 0 : i32
    return %arg0, %arg1, %c0_i32, %c0_i32_0 : i32, i32, i32, i32
  }
}

module attributes {stable_mosaic.version = 14 : i64} {
  func.func @_oproj_body(%arg0: i32, %arg1: memref<1x2048x1024xbf16, #tpu.memory_space<vmem>>, %arg2: memref<1024x1024xf32, #tpu.memory_space<vmem>>, %arg3: memref<1x2048x1024xf32, #tpu.memory_space<vmem>>) attributes {dimension_semantics = [#tpu.dimension_semantics<arbitrary>], iteration_bounds = array<i64: 2>, scalar_prefetch = 0 : i64, scratch_operands = 0 : i64, tpu.core_type = #tpu.core_type<tc>, window_params = [{transform_indices = @transform_0, window_bounds = array<i64: 1, 2048, 1024>}, {pipeline_mode = #tpu.pipeline_mode<synchronous>, transform_indices = @transform_1, window_bounds = array<i64: 1024, 1024>}, {transform_indices = @transform_2, window_bounds = array<i64: 1, 2048, 1024>}]} {
    %get3A = arith.constant 0 : index
    %get3A_0 = arith.constant 0 : index
    %get3A_1 = arith.constant 0 : index
    %get3A_2 = vector.load %arg1[%get3A, %get3A_0, %get3A_1] : memref<1x2048x1024xbf16, #tpu.memory_space<vmem>>, vector<1x2048x1024xbf16>
    %get3A_3 = vector.shape_cast %get3A_2 : vector<1x2048x1024xbf16> to vector<2048x1024xbf16>
    %get3A_4 = arith.constant 0 : index
    %get3A_5 = arith.constant 0 : index
    %get3A_6 = vector.load %arg2[%get3A_4, %get3A_5] : memref<1024x1024xf32, #tpu.memory_space<vmem>>, vector<1024x1024xf32>
    %convert_element_type3A = arith.truncf %get3A_6 : vector<1024x1024xf32> to vector<1024x1024xbf16>
    %dot_general3A = arith.constant dense<0.000000e+00> : vector<2048x1024xf32>
    %dot_general3A_7 = tpu.matmul %get3A_3, %convert_element_type3A, %dot_general3A {dimension_numbers = #tpu.dot_dimension_numbers<[1], [1], [0], [0], [0, 0, 1, 0], [], []>, transpose_lhs_hint = false} : vector<2048x1024xbf16>, vector<1024x1024xbf16>, vector<2048x1024xf32> -> vector<2048x1024xf32>
    %swap3A = arith.constant 0 : index
    %swap3A_8 = arith.constant 0 : index
    %swap3A_9 = arith.constant 0 : index
    %swap3A_10 = vector.load %arg3[%swap3A, %swap3A_8, %swap3A_9] : memref<1x2048x1024xf32, #tpu.memory_space<vmem>>, vector<1x2048x1024xf32>
    %swap3A_11 = vector.shape_cast %swap3A_10 : vector<1x2048x1024xf32> to vector<2048x1024xf32>
    %swap3A_12 = vector.shape_cast %dot_general3A_7 : vector<2048x1024xf32> to vector<1x2048x1024xf32>
    tpu.vector_store %arg3[%swap3A, %swap3A_8, %swap3A_9], %swap3A_12 {strides = array<i32>} : memref<1x2048x1024xf32, #tpu.memory_space<vmem>>, vector<1x2048x1024xf32>,
    return
  }
  func.func @transform_0(%arg0: i32) -> (i32, i32, i32) {
    %c0_i32 = arith.constant 0 : i32
    %c0_i32_0 = arith.constant 0 : i32
    %c0_i32_1 = arith.constant 0 : i32
    return %arg0, %c0_i32, %c0_i32_0 : i32, i32, i32
  }
  func.func @transform_1(%arg0: i32) -> (i32, i32) {
    %c0_i32 = arith.constant 0 : i32
    %c0_i32_0 = arith.constant 0 : i32
    %c0_i32_1 = arith.constant 0 : i32
    return %c0_i32, %c0_i32_0 : i32, i32
  }
  func.func @transform_2(%arg0: i32) -> (i32, i32, i32) {
    %c0_i32 = arith.constant 0 : i32
    %c0_i32_0 = arith.constant 0 : i32
    %c0_i32_1 = arith.constant 0 : i32
    return %arg0, %c0_i32, %c0_i32_0 : i32, i32, i32
  }
}

</mosaic_0001>

<sc_bundles>
// kernel: kernel.7.cloned.1.call-start
scs
__scs_entry_jumppad:
0x0: {  	(pc) =	sbr.rel $0x88, $3  }
0x1: {  	(tag) =	ssettag $0x0;
	lr =	simm.s32 $0x1  }
0x2: {  	[smem:$0x3F9C] =	sst lr;
	_ =	strace $0xD0000000  }
0x3: {  	_ = 	snop  }
0x4: {  	_ = 	snop  }
0x5: {  	_ = 	snop  }
0x6: {  	_ = 	snop  }
0x7: {  	_ = 	snop  }
__scs_overlays_trampoline_lowered:
0x8: {  	[smem:$0x3FAB] =	sst s0  }
0x9: {  	[smem:$0x3FAC] =	sst s1  }
0xa: {  	[smem:$0x3FAD] =	sst s2  }
0xb: {  	[smem:$0x3FAE] =	sst s3  }
0xc: {  	[smem:$0x3FAF] =	sst s4  }
0xd: {  	[smem:$0x3FB0] =	sst s5  }
0xe: {  	[smem:$0x3FB1] =	sst s6  }
0xf: {  	[smem:$0x3FB2] =	sst s7  }
0x10: {  	[smem:$0x3FB3] =	sst s8  }
0x11: {  	[smem:$0x3FB4] =	sst s9;
	s0 =	simm.s32 @!p0 $0x0  }
0x12: {  	s1 =	sld [smem:$0x3F9A];
	s0 =	simm.s32 @p0 $0x1  }
0x13: {  	[smem:$0x3FB5] =	sst s0;
	s0 =	simm.s32 @!p1 $0x0  }
0x14: {  	s2 =	sld [smem:$0x3F99];
	s0 =	simm.s32 @p1 $0x1  }
0x15: {  	[smem:$0x3FB6] =	sst s0;
	s0 =	simm.s32 @!p2 $0x0  }
0x16: {  	s3 =	sld [smem:$0x3FDB];
	s0 =	simm.s32 @p2 $0x1  }
0x17: {  	s4 =	simm.s32 $0x1BF5;
	[smem:$0x3FB8] =	sst s0  }
0x18: {  	s0 =	sld [smem:$0x3F9B];
	_ =	swait.ge [sflag:s4], $0x0  }
0x19: {  	s7 =	sld [smem:$0x3F9C]  }
0x1a: {  	s8 =	sadd.s32 $0xFFFFE003, lr  }
0x1b: {  	s9 =	sadd.s32 $0xFFFFFEF7, lr;
	s5 =	simm.s32 $0xFFFFFFFF;
	p2 =	slt.u32 s8, $0xFFFFF086  }
0x1c: {  	p1 =	slt.u32 s9, $0xF7A;
	s5 =	simm.s32 @!p2 $0x0  }
0x1d: {  	s5 =	simm.s32 @p1 $0x1;
	p0 =	seq.s32 s7, s2  }
0x1e: {  	s7 =	smul.u32 @!p0 $0xF7A, s2;
	p2 =	seq.s32 @!p0 s5, $0x0  }
0x1f: {  	s9 =	smul.u32 $0xF7A, s1;
	s8 =	simm.s32 @!p0 $0x1BF5;
	p2 =	por !p2, p0  }
0x20: {  	[sflag:s8] =	ssyncset.s32 @!p0 $0xFFFFF086;
	s6 =	sadd.s32 @!p0 s3, s7;
	s7 =	simm.s32 @!p0 $0x108  }
0x21: {  	s3 =	sadd.s32 s3, s9;
	s6 =	sadd.s32 @!p0 $0x88, s6;
	s7 =	simm.s32 @p2 $0x1082  }
0x22: {  	[simem:s7], [sflag:s8] =	dma.local @!p0 [hbm:s6], $0xF7A  }
0x23: {  	s9 =	sor.u32 $0xD0000000, s2;
	s6 =	simm.s32 $0x108;
	_ =	swait.ge @!p0 [sflag:s8], $0x0  }
0x24: {  	s3 =	sadd.s32 $0x88, s3;
	s6 =	simm.s32 @!p1 $0x1082;
	[sflag:s4] =	ssyncset.s32 $0xFFFFF086  }
0x25: {  	[simem:s6], [sflag:s4] =	dma.local [hbm:s3], $0xF7A  }
0x26: {  	[smem:$0x3F9C] =	sst s1;
	(tag) =	ssettag s2;
	_ =	strace s9  }
0x27: {  	s1 =	sld [smem:$0x3FAC]  }
0x28: {  	s2 =	sld [smem:$0x3FAD]  }
0x29: {  	s4 =	sld [smem:$0x3FAF]  }
0x2a: {  	p0 =	seq.s32 s5, $0x0;
	s5 =	sld [smem:$0x3FB0]  }
0x2b: {  	s6 =	sld [smem:$0x3FB1]  }
0x2c: {  	s7 =	sld [smem:$0x3FB2]  }
0x2d: {  	s3 =	simm.s32 $0x108;
	s8 =	sld [smem:$0x3FB3]  }
0x2e: {  	s3 =	simm.s32 @!p0 $0x1082;
	s9 =	sld [smem:$0x3FB4]  }
0x2f: {  	lr =	sadd.s32 s0, s3;
	s0 =	sld [smem:$0x3FAB]  }
0x30: {  	s3 =	sld [smem:$0x3FAE]  }
0x31: {  	[smem:$0x3FB7] =	sst s10  }
0x32: {  	s10 =	sld [smem:$0x3FB5];
	_ =	sdelay $0x3  }
0x33: {  	p0 =	seq.s32 s10, $0x1;
	s10 =	sld [smem:$0x3FB7];
	_ =	sdelay $0x3  }
0x34: {  	[smem:$0x3FB7] =	sst s10  }
0x35: {  	s10 =	sld [smem:$0x3FB6];
	_ =	sdelay $0x3  }
0x36: {  	p1 =	seq.s32 s10, $0x1;
	s10 =	sld [smem:$0x3FB7];
	_ =	sdelay $0x3  }
0x37: {  	[smem:$0x3FB7] =	sst s10  }
0x38: {  	s10 =	sld [smem:$0x3FB8]  }
0x39: {  	_ = 	snop;
	(pc) =	sbr.ind lr, $3  }
0x3a: {  	_ = 	snop  }
0x3b: {  	_ = 	snop  }
0x3c: {  	p2 =	seq.s32 s10, $0x1;
	s10 =	sld [smem:$0x3FB7]  }
0x3d: {  	_ =	shalt  }
0x3e: {  	_ =	shalt  }
0x3f: {  	_ =	shalt  }
0x40: {  	_ =	shalt  }
0x41: {  	_ =	shalt  }
0x42: {  	_ =	shalt  }
0x43: {  	_ =	shalt  }
0x44: {  	_ =	shalt  }
0x45: {  	_ =	shalt  }
0x46: {  	_ =	shalt  }
0x47: {  	_ =	shalt  }
0x48: {  	_ =	shalt  }
0x49: {  	_ =	shalt  }
0x4a: {  	_ =	shalt  }
0x4b: {  	_ =	shalt  }
0x4c: {  	_ =	shalt  }
0x4d: {  	_ =	shalt  }
0x4e: {  	_ =	shalt  }
0x4f: {  	_ =	shalt  }
0x50: {  	_ =	shalt  }
0x51: {  	_ =	shalt  }
0x52: {  	_ =	shalt  }
0x53: {  	_ =	shalt  }
0x54: {  	_ =	shalt  }
0x55: {  	_ =	shalt  }
0x56: {  	_ =	shalt  }
0x57: {  	_ =	shalt  }
0x58: {  	_ =	shalt  }
0x59: {  	_ =	shalt  }
0x5a: {  	_ =	shalt  }
0x5b: {  	_ =	shalt  }
0x5c: {  	_ =	shalt  }
0x5d: {  	_ =	shalt  }
0x5e: {  	_ =	shalt  }
0x5f: {  	_ =	shalt  }
0x60: {  	_ =	shalt  }
0x61: {  	_ =	shalt  }
0x62: {  	_ =	shalt  }
0x63: {  	_ =	shalt  }
0x64: {  	_ =	shalt  }
0x65: {  	_ =	shalt  }
0x66: {  	_ =	shalt  }
0x67: {  	_ =	shalt  }
0x68: {  	_ =	shalt  }
0x69: {  	_ =	shalt  }
0x6a: {  	_ =	shalt  }
0x6b: {  	_ =	shalt  }
0x6c: {  	_ =	shalt  }
0x6d: {  	_ =	shalt  }
0x6e: {  	_ =	shalt  }
0x6f: {  	_ =	shalt  }
0x70: {  	_ =	shalt  }
0x71: {  	_ =	shalt  }
0x72: {  	_ =	shalt  }
0x73: {  	_ =	shalt  }
0x74: {  	_ =	shalt  }
0x75: {  	_ =	shalt  }
0x76: {  	_ =	shalt  }
0x77: {  	_ =	shalt  }
0x78: {  	_ =	shalt  }
0x79: {  	_ =	shalt  }
0x7a: {  	_ =	shalt  }
0x7b: {  	_ =	shalt  }
0x7c: {  	_ =	shalt  }
0x7d: {  	_ =	shalt  }
0x7e: {  	_ =	shalt  }
0x7f: {  	_ =	shalt  }
0x80: {  	_ =	shalt  }
0x81: {  	_ =	shalt  }
0x82: {  	_ =	shalt  }
0x83: {  	_ =	shalt  }
0x84: {  	_ =	shalt  }
0x85: {  	_ =	shalt  }
0x86: {  	_ =	shalt  }
0x87: {  	_ =	shalt  }
.Lfunc_end0:
.L_simem_size_0:
called_computation_lowered:
.L_overlay_start_0:
0x88: {  	s2 =	sld [smem:$0x3FD9]  }
0x89: {  	s3 =	sld [smem:$0x3FFE];
	_ =	sdelay $0x1  }
0x8a: {  	s1 =	srdreg.scid  }
0x8b: {  	s0 =	sand.u32 $0x1, s1  }
0x8c: {  	s17 =	sshll.u32 s0, $0xA;
	s2 =	sadd.s32 s3, s2  }
0x8d: {  	s2 =	sadd.s32 s2, s17  }
0x8e: {  	[smem:$0x3FC3] =	sst s2  }
0x8f: {  	_ = 	snop  }
0x90: {  	s2 =	sld [smem:$0x3FD0];
	(tm) =	ssettm $0x1  }
0x91: {  	s18 =	sld [smem:$0x3FFB];
	_ =	sdelay $0x3  }
0x92: {  	_ =	strace s18  }
0x93: {  	s3 =	sld [smem:$0x3FFC];
	_ =	sdelay $0x3  }
0x94: {  	_ =	strace s3  }
0x95: {  	s3 =	sld [smem:$0x3FFD];
	_ =	sdelay $0x3  }
0x96: {  	_ =	strace s3  }
0x97: {  	_ =	strace $0x8FFFFFFF  }
0x98: {  	s19 =	sld [smem:$0x3FDB];
	_ =	sdelay $0x1  }
0x99: {  	s4 =	simm.s32 $_scs_section_size  }
0x9a: {  	s5 =	simm.s32 $_size__tile_overlayer_lowered;
	s6 =	simm.s32 $_tile_overlayer_lowered  }
0x9b: {  	s22 =	simm.s32 $0x1BFF;
	s21 =	sshll.u32 s6, $0x1;
	s3 =	sadd.s32 s4, s19  }
0x9c: {  	s7 =	simm.s32 $0x0;
	s20 =	sshll.u32 s5, $0x1;
	s5 =	sadd.s32 s21, s3  }
0x9d: {  	[timem:s7], [sflag:s22] =	dma.local [hbm:s5], s20  }
0x9e: {  	_ =	swait.ge [sflag:s22], s20  }
0x9f: {  	s4 =	ssub.s32 $0x0, s20;
	[sflag:s22] =	ssyncset.done $0x0  }
0xa0: {  	[sflag:s22] =	ssyncadd.s32 s4;
	_ =	sdelay $0x1  }
0xa1: {  	s23 =	simm.s32 $0x1B8B  }
0xa2: {  	_ =	swait.ge [sflag:s23], $0x1  }
0xa3: {  	[sflag:s23] =	ssyncset.done $0x0  }
0xa4: {  	s25 =	simm.s32 $0x1B8E;
	s24 =	sld [smem:$0x3FFE];
	[sflag:s23] =	ssyncadd.s32 $0xFFFFFFFF  }
0xa5: {  	s26 =	simm.s32 $execute0_lowered;
	[smem:$0x3FD2] =	sst s25  }
0xa6: {  	s5 =	sshll.u32 s26, $0x1;
	_ =	strace $0x80000046;
	[dreg:$0x1] =	wrdreg $0xFFFFFFFF  }
0xa7: {  	s28 =	simm.s32 $_size_execute0_lowered;
	s3 =	sadd.s32 s3, s5;
	[dreg:$0x0] =	wrdreg $0x0  }
0xa8: {  	s5 =	sshll.u32 s28, $0x1;
	[dreg:$0x2] =	wrdreg s3  }
0xa9: {  	[dreg:$0x3] =	wrdreg s5  }
0xaa: {  	[dreg:$0x4] =	wrdreg $0xC0  }
0xab: {  	_ =	task [dreg:s7], $0x5FFFF  }
0xac: {  	[dreg:$0x1] =	wrdreg $0xFFFFFFFF  }
0xad: {  	[dreg:$0x0] =	wrdreg $0x60  }
0xae: {  	[dreg:$0x2] =	wrdreg s24  }
0xaf: {  	[dreg:$0x3] =	wrdreg s2  }
0xb0: {  	[dreg:$0x4] =	wrdreg $0x9  }
0xb1: {  	_ =	task.clear_ibuf [dreg:s7], $0x5FFFF;
	_ =	strace $0x90000046  }
0xb2: {  	s29 =	simm.s32 $0x9;
	_ =	strace $0x80000048  }
0xb3: {  	_ =	swait.ge [sflag:s29], $0x1  }
0xb4: {  	[sflag:s29] =	ssyncadd.s32 $0xFFFFFFFF  }
0xb5: {  	_ =	strace $0x90000048  }
0xb6: {  	_ =	sfence  }
0xb7: {  	s30 =	sld [smem:$0x0];
	_ =	sdelay $0x2  }
0xb8: {  	s31 =	sshll.u32 s1, $0xD;
	s1 =	sshrl.u32 s1, $0x2  }
0xb9: {  	s3 =	sand.u32 $0x4000, s31;
	s1 =	sadd.s32 s1, s30  }
0xba: {  	s0 =	sor.u32 s3, s0;
	s1 =	sshll.u32 s1, $0x11  }
0xbb: {  	s0 =	sor.u32 s1, s0  }
0xbc: {  	s0 =	sadd.s32 $0x8F2B, s0  }
0xbd: {  	[sflag:s0] =	ssyncadd.remote.s32 $0x1  }
0xbe: {  	_ =	sfence.sel $0xFFFF  }
0xbf: {  	[dreg:$0x0] =	wrdreg $0xFFFFFFFF;
	(pc) =	sbr.abs _section_cstart, $3  }
0xc0: {  	[dreg:$0x1] =	wrdreg $0xFFFFFFFF  }
0xc1: {  	_ =	task.clear_ibuf [dreg:s7], $0x2FFFF;
	_ =	strace $0x9FFFFFFF  }
0xc2: {  	(tm) =	ssettm $0x7FFFFFFF  }
0xc3: {  	_ =	shalt  }
tec
execute0_lowered:
.L_overlay_start_1:
0x0: {  	(tag) =	ssettag $0x1  }
0x1: {  	s0 =	srdreg.scid  }
0x2: {  	s7 =	stileid.u32;
	s5 =	sand.u32 $0x1, s0  }
0x3: {  	s24 =	sshll.u32 s7, $0x7;
	s4 =	sshll.u32 s5, $0x6  }
0x4: {  	s1 =	rddreg [dreg:$0x0];
	s6 =	sor.u32 s4, s24  }
0x5: {  	s2 =	rddreg [dreg:$0x1];
	s3 =	simm.s32 $0x0;
	v7 =	vlaneseq.u32;
	s8 =	sand.u32 $0x3C0, s6  }
0x6: {  	s20 =	simm.s32 $0x100;
	s29 =	simm.s32 $0x900;
	v4 =	vmul.u32 $0x2, v7;
	s13 =	sor.u32 $0x10, s8;
	v0 =	vmov s8  }
0x7: {  	vm0 =	vmmov $0xffff;
	s25 =	sshll.u32 s7, $0x8;
	s14 =	sor.u32 $0x20, s8;
	s15 =	sor.u32 $0x30, s8;
	v0 =	vshll.u32 v0, $0x1;
	v1 =	vmov s13  }
0x8: {  	s30 =	simm.s32 $0x1100;
	s31 =	simm.s32 $0x1900;
	s0 =	sand.u32 $0x800, s25;
	v3 =	vmov s14;
	v6 =	vmov s15;
	v5 =	vor.u32 v4, v0  }
0x9: {  	s21 =	simm.s32 $0x6900;
	s22 =	simm.s32 $0x7100;
	[smem:$0x7FF] =	sst s3;
	v0 =	vmov s0;
	v2 =	vshll.u32 v1, $0x1;
	v3 =	vshll.u32 v3, $0x1  }
0xa: {  	s23 =	simm.s32 $0x7900;
	s10 =	sadd.s32 $0x1900, s1;
	_ =	strace $0x80000047;
	v6 =	vshll.u32 v6, $0x1;
	v1 =	vor.u32 s0, v5;
	v2 =	vor.u32 v4, v2  }
0xb: {  	s5 =	ssub.s32 $0x2, s5;
	s25 =	simm.s32 $0x8900;
	s4 =	sadd.s32 $0x1600, s1;
	v3 =	vor.u32 v4, v3;
	v4 =	vor.u32 v4, v6;
	v5 =	vand.u32 $0x6, v5  }
0xc: {  	s28 =	sshrl.u32 s5, $0x1;
	s24 =	simm.s32 $0x8100;
	s6 =	sshrl.u32 s6, $0x3;
	v2 =	vor.u32 s0, v2;
	v3 =	vor.u32 s0, v3;
	v8 =	vshll.u32 v1, $0x3  }
0xd: {  	s11 =	ssub.s32 s5, s28;
	s5 =	sadd.s32 $0x100, s2;
	s26 =	sor.u32 s0, s8;
	v4 =	vor.u32 s0, v4;
	v6 =	vand.u32 $0x7FFFFFC0, v8;
	v8 =	vshrl.u32 v7, $0x3  }
0xe: {  	s9 =	sadd.s32 s6, s1;
	s6 =	sadd.s32 $0x200, s2;
	s8 =	sadd.s32 $0x1700, s1;
	v9 =	vor.u32 v5, v6;
	v6 =	vand.u32 $0x7, v7;
	v7 =	vor.u32 $0x8, v7  }
0xf: {  	s11 =	smax.u32 s11, $0x1;
	s7 =	sshll.u32 s26, $0x7;
	s9 =	sadd.s32 $0x1400, s9;
	v8 =	vmul.u32 $0x8, v8;
	v12 =	vperm.xlane v9, v6;
	v13 =	vperm.xlane v9, v7  }
0x10: {  	s26 =	simm.s32 $0x1;
	s7 =	sadd.s32 s4, s7;
	[dreg:$0x4] =	wrdreg s9;
	v10 =	vor.u32 $0x1, v3;
	v11 =	vor.u32 $0x1, v4;
	v5 =	vor.u32 $0x1, v1  }
0x11: {  	s9 =	sadd.s32 $0x1800, s1;
	[dreg:$0x3] =	wrdreg s7;
	s7 =	sadd.s32 $0x300, s2;
	v9 =	vor.u32 $0x1, v2;
	v12 =	vadd.s32 v8, v12;
	v13 =	vadd.s32 v8, v13  }
.LBB2_1:
0x12: {  	s28 =	rddreg [dreg:$0x3];
	s0 =	simm.s32 $0x2  }
0x13: {  	[tilespmem:s20], [sflag:$0x2] =	stream.linear.gather [hbm4b:s28+s3], $0x10000, $0x38;
	[tilespmem:$0x10100] =	vst v63  }
0x14: {  	_ =	swait.ge [sflag:s0], $0x10000  }
0x15: {  	[sflag:s0] =	ssyncset.done $0x0  }
0x16: {  	[sflag:s0] =	ssyncadd.s32 $0xFFFF0000  }
0x17: {  	[tilespmem:$0x80] =	vst v1  }
0x18: {  	[tilespmem:$0x90] =	vst v2  }
0x19: {  	[tilespmem:$0xA0] =	vst v3  }
0x1a: {  	[tilespmem:$0xB0] =	vst v4  }
0x1b: {  	[hbm4b:s2+s3] =	stream.indirect_vreg.scatter [tilespmem:s20], [sflag:$0x1], $0x80, v12, vm0, $0xb8;
	[tilespmem:$0x10100] =	vst v63  }
0x1c: {  	_ = 	snop  }
0x1d: {  	[hbm4b:s5+s3] =	stream.indirect_vreg.scatter [tilespmem:s29], [sflag:$0x1], $0x80, v12, vm0, $0xb8;
	[tilespmem:$0x10100] =	vst v63  }
0x1e: {  	_ = 	snop  }
0x1f: {  	[hbm4b:s6+s3] =	stream.indirect_vreg.scatter [tilespmem:s30], [sflag:$0x1], $0x80, v12, vm0, $0xb8;
	[tilespmem:$0x10100] =	vst v63  }
0x20: {  	_ = 	snop  }
0x21: {  	[hbm4b:s7+s3] =	stream.indirect_vreg.scatter [tilespmem:s31], [sflag:$0x1], $0x80, v12, vm0, $0xb8;
	[tilespmem:$0x10100] =	vst v63  }
0x22: {  	s1 =	simm.s32 $0x2100  }
0x23: {  	[hbm4b:s2+s3] =	stream.indirect_vreg.scatter [tilespmem:s1], [sflag:$0x1], $0x80, v13, vm0, $0xb8;
	[tilespmem:$0x10100] =	vst v63  }
0x24: {  	s15 =	simm.s32 $0x2900  }
0x25: {  	[hbm4b:s5+s3] =	stream.indirect_vreg.scatter [tilespmem:s15], [sflag:$0x1], $0x80, v13, vm0, $0xb8;
	[tilespmem:$0x10100] =	vst v63  }
0x26: {  	s16 =	simm.s32 $0x3100  }
0x27: {  	[hbm4b:s6+s3] =	stream.indirect_vreg.scatter [tilespmem:s16], [sflag:$0x1], $0x80, v13, vm0, $0xb8;
	[tilespmem:$0x10100] =	vst v63  }
0x28: {  	s17 =	simm.s32 $0x3900  }
0x29: {  	[hbm4b:s7+s3] =	stream.indirect_vreg.scatter [tilespmem:s17], [sflag:$0x1], $0x80, v13, vm0, $0xb8;
	[tilespmem:$0x10100] =	vst v63  }
0x2a: {  	v14 =	vld [tilespmem:$0x90];
	_ =	sdelay $0x4  }
0x2b: {  	v15 =	vshll.u32 v14, $0x3  }
0x2c: {  	v14 =	vand.u32 $0x7, v14;
	v15 =	vand.u32 $0xFFFFFFC0, v15  }
0x2d: {  	v14 =	vor.u32 v14, v15  }
0x2e: {  	v15 =	vperm.xlane v14, v6;
	_ =	sdelay $0x1  }
0x2f: {  	v15 =	vadd.s32 v8, v15;
	_ =	sdelay $0x3  }
0x30: {  	s18 =	simm.s32 $0x4100  }
0x31: {  	[hbm4b:s2+s3] =	stream.indirect_vreg.scatter [tilespmem:s18], [sflag:$0x1], $0x80, v15, vm0, $0xb8;
	[tilespmem:$0x10100] =	vst v63  }
0x32: {  	s19 =	simm.s32 $0x4900;
	v14 =	vperm.xlane v14, v7  }
0x33: {  	[hbm4b:s5+s3] =	stream.indirect_vreg.scatter [tilespmem:s19], [sflag:$0x1], $0x80, v15, vm0, $0xb8;
	[tilespmem:$0x10100] =	vst v63  }
0x34: {  	s28 =	simm.s32 $0x5100;
	v14 =	vadd.s32 v8, v14  }
0x35: {  	[hbm4b:s6+s3] =	stream.indirect_vreg.scatter [tilespmem:s28], [sflag:$0x1], $0x80, v15, vm0, $0xb8;
	[tilespmem:$0x10100] =	vst v63  }
0x36: {  	s15 =	simm.s32 $0x5900  }
0x37: {  	[hbm4b:s7+s3] =	stream.indirect_vreg.scatter [tilespmem:s15], [sflag:$0x1], $0x80, v15, vm0, $0xb8;
	[tilespmem:$0x10100] =	vst v63  }
0x38: {  	s16 =	simm.s32 $0x6100  }
0x39: {  	[hbm4b:s2+s3] =	stream.indirect_vreg.scatter [tilespmem:s16], [sflag:$0x1], $0x80, v14, vm0, $0xb8;
	[tilespmem:$0x10100] =	vst v63  }
0x3a: {  	_ = 	snop  }
0x3b: {  	[hbm4b:s5+s3] =	stream.indirect_vreg.scatter [tilespmem:s21], [sflag:$0x1], $0x80, v14, vm0, $0xb8;
	[tilespmem:$0x10100] =	vst v63  }
0x3c: {  	_ = 	snop  }
0x3d: {  	[hbm4b:s6+s3] =	stream.indirect_vreg.scatter [tilespmem:s22], [sflag:$0x1], $0x80, v14, vm0, $0xb8;
	[tilespmem:$0x10100] =	vst v63  }
0x3e: {  	_ = 	snop  }
0x3f: {  	[hbm4b:s7+s3] =	stream.indirect_vreg.scatter [tilespmem:s23], [sflag:$0x1], $0x80, v14, vm0, $0xb8;
	[tilespmem:$0x10100] =	vst v63  }
0x40: {  	v14 =	vld [tilespmem:$0xA0];
	_ =	sdelay $0x4  }
0x41: {  	v15 =	vshll.u32 v14, $0x3  }
0x42: {  	v14 =	vand.u32 $0x7, v14;
	v15 =	vand.u32 $0xFFFFFFC0, v15  }
0x43: {  	v14 =	vor.u32 v14, v15  }
0x44: {  	v15 =	vperm.xlane v14, v6;
	_ =	sdelay $0x1  }
0x45: {  	v15 =	vadd.s32 v8, v15;
	_ =	sdelay $0x4  }
0x46: {  	[hbm4b:s2+s3] =	stream.indirect_vreg.scatter [tilespmem:s24], [sflag:$0x1], $0x80, v15, vm0, $0xb8;
	[tilespmem:$0x10100] =	vst v63  }
0x47: {  	v14 =	vperm.xlane v14, v7  }
0x48: {  	[hbm4b:s5+s3] =	stream.indirect_vreg.scatter [tilespmem:s25], [sflag:$0x1], $0x80, v15, vm0, $0xb8;
	[tilespmem:$0x10100] =	vst v63  }
0x49: {  	s17 =	simm.s32 $0x9100;
	v14 =	vadd.s32 v8, v14  }
0x4a: {  	[hbm4b:s6+s3] =	stream.indirect_vreg.scatter [tilespmem:s17], [sflag:$0x1], $0x80, v15, vm0, $0xb8;
	[tilespmem:$0x10100] =	vst v63  }
0x4b: {  	s18 =	simm.s32 $0x9900  }
0x4c: {  	[hbm4b:s7+s3] =	stream.indirect_vreg.scatter [tilespmem:s18], [sflag:$0x1], $0x80, v15, vm0, $0xb8;
	[tilespmem:$0x10100] =	vst v63  }
0x4d: {  	s16 =	simm.s32 $0xA100  }
0x4e: {  	[hbm4b:s2+s3] =	stream.indirect_vreg.scatter [tilespmem:s16], [sflag:$0x1], $0x80, v14, vm0, $0xb8;
	[tilespmem:$0x10100] =	vst v63  }
0x4f: {  	s17 =	simm.s32 $0xA900  }
0x50: {  	[hbm4b:s5+s3] =	stream.indirect_vreg.scatter [tilespmem:s17], [sflag:$0x1], $0x80, v14, vm0, $0xb8;
	[tilespmem:$0x10100] =	vst v63  }
0x51: {  	s18 =	simm.s32 $0xB100  }
0x52: {  	[hbm4b:s6+s3] =	stream.indirect_vreg.scatter [tilespmem:s18], [sflag:$0x1], $0x80, v14, vm0, $0xb8;
	[tilespmem:$0x10100] =	vst v63  }
0x53: {  	s16 =	simm.s32 $0xB900  }
0x54: {  	[hbm4b:s7+s3] =	stream.indirect_vreg.scatter [tilespmem:s16], [sflag:$0x1], $0x80, v14, vm0, $0xb8;
	[tilespmem:$0x10100] =	vst v63  }
0x55: {  	v14 =	vld [tilespmem:$0xB0];
	_ =	sdelay $0x4  }
0x56: {  	v15 =	vshll.u32 v14, $0x3  }
0x57: {  	v14 =	vand.u32 $0x7, v14;
	v15 =	vand.u32 $0xFFFFFFC0, v15  }
0x58: {  	v14 =	vor.u32 v14, v15  }
0x59: {  	v15 =	vperm.xlane v14, v6;
	_ =	sdelay $0x1  }
0x5a: {  	v15 =	vadd.s32 v8, v15;
	_ =	sdelay $0x3  }
0x5b: {  	s17 =	simm.s32 $0xC100  }
0x5c: {  	[hbm4b:s2+s3] =	stream.indirect_vreg.scatter [tilespmem:s17], [sflag:$0x1], $0x80, v15, vm0, $0xb8;
	[tilespmem:$0x10100] =	vst v63  }
0x5d: {  	s18 =	simm.s32 $0xC900;
	v14 =	vperm.xlane v14, v7  }
0x5e: {  	[hbm4b:s5+s3] =	stream.indirect_vreg.scatter [tilespmem:s18], [sflag:$0x1], $0x80, v15, vm0, $0xb8;
	[tilespmem:$0x10100] =	vst v63  }
0x5f: {  	s28 =	simm.s32 $0xD100;
	v14 =	vadd.s32 v8, v14  }
0x60: {  	[hbm4b:s6+s3] =	stream.indirect_vreg.scatter [tilespmem:s28], [sflag:$0x1], $0x80, v15, vm0, $0xb8;
	[tilespmem:$0x10100] =	vst v63  }
0x61: {  	s28 =	simm.s32 $0xD900  }
0x62: {  	[hbm4b:s7+s3] =	stream.indirect_vreg.scatter [tilespmem:s28], [sflag:$0x1], $0x80, v15, vm0, $0xb8;
	[tilespmem:$0x10100] =	vst v63  }
0x63: {  	s28 =	simm.s32 $0xE100  }
0x64: {  	[hbm4b:s2+s3] =	stream.indirect_vreg.scatter [tilespmem:s28], [sflag:$0x1], $0x80, v14, vm0, $0xb8;
	[tilespmem:$0x10100] =	vst v63  }
0x65: {  	s28 =	simm.s32 $0xE900  }
0x66: {  	[hbm4b:s5+s3] =	stream.indirect_vreg.scatter [tilespmem:s28], [sflag:$0x1], $0x80, v14, vm0, $0xb8;
	[tilespmem:$0x10100] =	vst v63  }
0x67: {  	s28 =	simm.s32 $0xF100  }
0x68: {  	[hbm4b:s6+s3] =	stream.indirect_vreg.scatter [tilespmem:s28], [sflag:$0x1], $0x80, v14, vm0, $0xb8;
	[tilespmem:$0x10100] =	vst v63  }
0x69: {  	s28 =	simm.s32 $0xF900  }
0x6a: {  	[hbm4b:s7+s3] =	stream.indirect_vreg.scatter [tilespmem:s28], [sflag:$0x1], $0x80, v14, vm0, $0xb8;
	[tilespmem:$0x10100] =	vst v63  }
0x6b: {  	_ =	swait.ge [sflag:s26], $0x10000  }
0x6c: {  	[sflag:s26] =	ssyncset.done $0x0  }
0x6d: {  	s28 =	rddreg [dreg:$0x4];
	[sflag:s26] =	ssyncadd.s32 $0xFFFF0000  }
0x6e: {  	[tilespmem:s3], [sflag:$0x2] =	stream.linear.gather [hbm4b:s28+s3], $0x40, $0x38;
	[tilespmem:$0x10100] =	vst v63  }
0x6f: {  	_ =	swait.ge [sflag:s0], $0x40  }
0x70: {  	[sflag:s0] =	ssyncset.done $0x0  }
0x71: {  	[sflag:s0] =	ssyncadd.s32 $0xFFFFFFC0  }
0x72: {  	v14 =	vld [tilespmem:$0x0];
	_ =	sdelay $0x4  }
0x73: {  	v14 =	vadd.s32 v0, v14  }
0x74: {  	[tilespmem:$0x0] =	vst v14  }
0x75: {  	v14 =	vld [tilespmem:$0x0];
	_ =	sdelay $0x1  }
0x76: {  	v15 =	vld [tilespmem:$0x10]  }
0x77: {  	v16 =	vld [tilespmem:$0x20]  }
0x78: {  	v17 =	vld [tilespmem:$0x30]  }
0x79: {  	v18 =	vshll.u32 v14, $0x3  }
0x7a: {  	v14 =	vand.u32 $0x7, v14;
	v18 =	vand.u32 $0xFFFFFFC0, v18  }
0x7b: {  	v15 =	vadd.s32 v0, v15;
	v14 =	vor.u32 v14, v18  }
0x7c: {  	[tilespmem:$0x10] =	vst v15;
	v15 =	vadd.s32 v0, v16;
	v63 =	vperm.xlane v14, v6  }
0x7d: {  	[tilespmem:$0x20] =	vst v15;
	v15 =	vadd.s32 v0, v17  }
0x7e: {  	[tilespmem:$0x30] =	vst v15;
	v15 =	vadd.s32 v8, v63  }
0x7f: {  	[tilespmem:$0x80] =	vst v5  }
0x80: {  	[tilespmem:$0x90] =	vst v9  }
0x81: {  	[tilespmem:$0xA0] =	vst v10  }
0x82: {  	[tilespmem:$0xB0] =	vst v11  }
0x83: {  	[tilespmem:s20], [sflag:$0x1] =	stream.indirect_vreg.gather [hbm4b:s4+s3], $0x80, v15, vm0, $0xb8;
	[tilespmem:$0x10100] =	vst v63  }
0x84: {  	v14 =	vperm.xlane v14, v7  }
0x85: {  	[tilespmem:s29], [sflag:$0x1] =	stream.indirect_vreg.gather [hbm4b:s8+s3], $0x80, v15, vm0, $0xb8;
	[tilespmem:$0x10100] =	vst v63  }
0x86: {  	v14 =	vadd.s32 v8, v14  }
0x87: {  	[tilespmem:s30], [sflag:$0x1] =	stream.indirect_vreg.gather [hbm4b:s9+s3], $0x80, v15, vm0, $0xb8;
	[tilespmem:$0x10100] =	vst v63  }
0x88: {  	_ = 	snop  }
0x89: {  	[tilespmem:s31], [sflag:$0x1] =	stream.indirect_vreg.gather [hbm4b:s10+s3], $0x80, v15, vm0, $0xb8;
	[tilespmem:$0x10100] =	vst v63  }
0x8a: {  	s0 =	simm.s32 $0x2100  }
0x8b: {  	[tilespmem:s0], [sflag:$0x1] =	stream.indirect_vreg.gather [hbm4b:s4+s3], $0x80, v14, vm0, $0xb8;
	[tilespmem:$0x10100] =	vst v63  }
0x8c: {  	s28 =	simm.s32 $0x2900  }
0x8d: {  	[tilespmem:s28], [sflag:$0x1] =	stream.indirect_vreg.gather [hbm4b:s8+s3], $0x80, v14, vm0, $0xb8;
	[tilespmem:$0x10100] =	vst v63  }
0x8e: {  	s28 =	simm.s32 $0x3100  }
0x8f: {  	[tilespmem:s28], [sflag:$0x1] =	stream.indirect_vreg.gather [hbm4b:s9+s3], $0x80, v14, vm0, $0xb8;
	[tilespmem:$0x10100] =	vst v63  }
0x90: {  	s12 =	simm.s32 $0x3900  }
0x91: {  	[tilespmem:s12], [sflag:$0x1] =	stream.indirect_vreg.gather [hbm4b:s10+s3], $0x80, v14, vm0, $0xb8;
	[tilespmem:$0x10100] =	vst v63  }
0x92: {  	v14 =	vld [tilespmem:$0x10];
	_ =	sdelay $0x4  }
0x93: {  	v15 =	vshll.u32 v14, $0x3  }
0x94: {  	v14 =	vand.u32 $0x7, v14;
	v15 =	vand.u32 $0xFFFFFFC0, v15  }
0x95: {  	v14 =	vor.u32 v14, v15  }
0x96: {  	v15 =	vperm.xlane v14, v6;
	_ =	sdelay $0x1  }
0x97: {  	v15 =	vadd.s32 v8, v15;
	_ =	sdelay $0x3  }
0x98: {  	s13 =	simm.s32 $0x4100  }
0x99: {  	[tilespmem:s13], [sflag:$0x1] =	stream.indirect_vreg.gather [hbm4b:s4+s3], $0x80, v15, vm0, $0xb8;
	[tilespmem:$0x10100] =	vst v63  }
0x9a: {  	s14 =	simm.s32 $0x4900;
	v14 =	vperm.xlane v14, v7  }
0x9b: {  	[tilespmem:s14], [sflag:$0x1] =	stream.indirect_vreg.gather [hbm4b:s8+s3], $0x80, v15, vm0, $0xb8;
	[tilespmem:$0x10100] =	vst v63  }
0x9c: {  	s28 =	simm.s32 $0x5100;
	v14 =	vadd.s32 v8, v14  }
0x9d: {  	[tilespmem:s28], [sflag:$0x1] =	stream.indirect_vreg.gather [hbm4b:s9+s3], $0x80, v15, vm0, $0xb8;
	[tilespmem:$0x10100] =	vst v63  }
0x9e: {  	s15 =	simm.s32 $0x5900  }
0x9f: {  	[tilespmem:s15], [sflag:$0x1] =	stream.indirect_vreg.gather [hbm4b:s10+s3], $0x80, v15, vm0, $0xb8;
	[tilespmem:$0x10100] =	vst v63  }
0xa0: {  	s19 =	simm.s32 $0x6100  }
0xa1: {  	[tilespmem:s19], [sflag:$0x1] =	stream.indirect_vreg.gather [hbm4b:s4+s3], $0x80, v14, vm0, $0xb8;
	[tilespmem:$0x10100] =	vst v63  }
0xa2: {  	_ = 	snop  }
0xa3: {  	[tilespmem:s21], [sflag:$0x1] =	stream.indirect_vreg.gather [hbm4b:s8+s3], $0x80, v14, vm0, $0xb8;
	[tilespmem:$0x10100] =	vst v63  }
0xa4: {  	_ = 	snop  }
0xa5: {  	[tilespmem:s22], [sflag:$0x1] =	stream.indirect_vreg.gather [hbm4b:s9+s3], $0x80, v14, vm0, $0xb8;
	[tilespmem:$0x10100] =	vst v63  }
0xa6: {  	_ = 	snop  }
0xa7: {  	[tilespmem:s23], [sflag:$0x1] =	stream.indirect_vreg.gather [hbm4b:s10+s3], $0x80, v14, vm0, $0xb8;
	[tilespmem:$0x10100] =	vst v63  }
0xa8: {  	v14 =	vld [tilespmem:$0x20];
	_ =	sdelay $0x4  }
0xa9: {  	v15 =	vshll.u32 v14, $0x3  }
0xaa: {  	v14 =	vand.u32 $0x7, v14;
	v15 =	vand.u32 $0xFFFFFFC0, v15  }
0xab: {  	v14 =	vor.u32 v14, v15  }
0xac: {  	v15 =	vperm.xlane v14, v6;
	_ =	sdelay $0x1  }
0xad: {  	v15 =	vadd.s32 v8, v15;
	_ =	sdelay $0x4  }
0xae: {  	[tilespmem:s24], [sflag:$0x1] =	stream.indirect_vreg.gather [hbm4b:s4+s3], $0x80, v15, vm0, $0xb8;
	[tilespmem:$0x10100] =	vst v63  }
0xaf: {  	v14 =	vperm.xlane v14, v7  }
0xb0: {  	[tilespmem:s25], [sflag:$0x1] =	stream.indirect_vreg.gather [hbm4b:s8+s3], $0x80, v15, vm0, $0xb8;
	[tilespmem:$0x10100] =	vst v63  }
0xb1: {  	s1 =	simm.s32 $0x9100;
	v14 =	vadd.s32 v8, v14  }
0xb2: {  	[tilespmem:s1], [sflag:$0x1] =	stream.indirect_vreg.gather [hbm4b:s9+s3], $0x80, v15, vm0, $0xb8;
	[tilespmem:$0x10100] =	vst v63  }
0xb3: {  	s28 =	simm.s32 $0x9900  }
0xb4: {  	[tilespmem:s28], [sflag:$0x1] =	stream.indirect_vreg.gather [hbm4b:s10+s3], $0x80, v15, vm0, $0xb8;
	[tilespmem:$0x10100] =	vst v63  }
0xb5: {  	s1 =	simm.s32 $0xA100  }
0xb6: {  	[tilespmem:s1], [sflag:$0x1] =	stream.indirect_vreg.gather [hbm4b:s4+s3], $0x80, v14, vm0, $0xb8;
	[tilespmem:$0x10100] =	vst v63  }
0xb7: {  	s12 =	simm.s32 $0xA900  }
0xb8: {  	[tilespmem:s12], [sflag:$0x1] =	stream.indirect_vreg.gather [hbm4b:s8+s3], $0x80, v14, vm0, $0xb8;
	[tilespmem:$0x10100] =	vst v63  }
0xb9: {  	s13 =	simm.s32 $0xB100  }
0xba: {  	[tilespmem:s13], [sflag:$0x1] =	stream.indirect_vreg.gather [hbm4b:s9+s3], $0x80, v14, vm0, $0xb8;
	[tilespmem:$0x10100] =	vst v63  }
0xbb: {  	s16 =	simm.s32 $0xB900  }
0xbc: {  	[tilespmem:s16], [sflag:$0x1] =	stream.indirect_vreg.gather [hbm4b:s10+s3], $0x80, v14, vm0, $0xb8;
	[tilespmem:$0x10100] =	vst v63  }
0xbd: {  	v14 =	vld [tilespmem:$0x30];
	_ =	sdelay $0x4  }
0xbe: {  	v15 =	vshll.u32 v14, $0x3  }
0xbf: {  	v14 =	vand.u32 $0x7, v14;
	v15 =	vand.u32 $0xFFFFFFC0, v15  }
0xc0: {  	v14 =	vor.u32 v14, v15  }
0xc1: {  	v15 =	vperm.xlane v14, v6;
	_ =	sdelay $0x1  }
0xc2: {  	v15 =	vadd.s32 v8, v15;
	_ =	sdelay $0x3  }
0xc3: {  	s17 =	simm.s32 $0xC100  }
0xc4: {  	[tilespmem:s17], [sflag:$0x1] =	stream.indirect_vreg.gather [hbm4b:s4+s3], $0x80, v15, vm0, $0xb8;
	[tilespmem:$0x10100] =	vst v63  }
0xc5: {  	s18 =	simm.s32 $0xC900;
	v14 =	vperm.xlane v14, v7  }
0xc6: {  	[tilespmem:s18], [sflag:$0x1] =	stream.indirect_vreg.gather [hbm4b:s8+s3], $0x80, v15, vm0, $0xb8;
	[tilespmem:$0x10100] =	vst v63  }
0xc7: {  	s14 =	simm.s32 $0xD100;
	v14 =	vadd.s32 v8, v14  }
0xc8: {  	[tilespmem:s14], [sflag:$0x1] =	stream.indirect_vreg.gather [hbm4b:s9+s3], $0x80, v15, vm0, $0xb8;
	[tilespmem:$0x10100] =	vst v63  }
0xc9: {  	s15 =	simm.s32 $0xD900  }
0xca: {  	[tilespmem:s15], [sflag:$0x1] =	stream.indirect_vreg.gather [hbm4b:s10+s3], $0x80, v15, vm0, $0xb8;
	[tilespmem:$0x10100] =	vst v63  }
0xcb: {  	s16 =	simm.s32 $0xE100  }
0xcc: {  	[tilespmem:s16], [sflag:$0x1] =	stream.indirect_vreg.gather [hbm4b:s4+s3], $0x80, v14, vm0, $0xb8;
	[tilespmem:$0x10100] =	vst v63  }
0xcd: {  	s17 =	simm.s32 $0xE900  }
0xce: {  	[tilespmem:s17], [sflag:$0x1] =	stream.indirect_vreg.gather [hbm4b:s8+s3], $0x80, v14, vm0, $0xb8;
	[tilespmem:$0x10100] =	vst v63  }
0xcf: {  	s18 =	simm.s32 $0xF100  }
0xd0: {  	[tilespmem:s18], [sflag:$0x1] =	stream.indirect_vreg.gather [hbm4b:s9+s3], $0x80, v14, vm0, $0xb8;
	[tilespmem:$0x10100] =	vst v63  }
0xd1: {  	s19 =	simm.s32 $0xF900  }
0xd2: {  	[tilespmem:s19], [sflag:$0x1] =	stream.indirect_vreg.gather [hbm4b:s10+s3], $0x80, v14, vm0, $0xb8;
	[tilespmem:$0x10100] =	vst v63  }
0xd3: {  	_ =	swait.ge [sflag:s26], $0x10000  }
0xd4: {  	[sflag:s26] =	ssyncset.done $0x0  }
0xd5: {  	[sflag:s26] =	ssyncadd.s32 $0xFFFF0000  }
0xd6: {  	v14 =	vld [tilespmem:$0x80];
	_ =	sdelay $0x4  }
0xd7: {  	v15 =	vshll.u32 v14, $0x3  }
0xd8: {  	v14 =	vand.u32 $0x7, v14;
	v15 =	vand.u32 $0xFFFFFFC0, v15  }
0xd9: {  	v14 =	vor.u32 v14, v15  }
0xda: {  	v15 =	vperm.xlane v14, v6;
	_ =	sdelay $0x1  }
0xdb: {  	v15 =	vadd.s32 v8, v15;
	_ =	sdelay $0x4  }
0xdc: {  	[hbm4b:s2+s3] =	stream.indirect_vreg.scatter [tilespmem:s20], [sflag:$0x1], $0x80, v15, vm0, $0xb8;
	[tilespmem:$0x10100] =	vst v63  }
0xdd: {  	v14 =	vperm.xlane v14, v7  }
0xde: {  	[hbm4b:s5+s3] =	stream.indirect_vreg.scatter [tilespmem:s29], [sflag:$0x1], $0x80, v15, vm0, $0xb8;
	[tilespmem:$0x10100] =	vst v63  }
0xdf: {  	v14 =	vadd.s32 v8, v14  }
0xe0: {  	[hbm4b:s6+s3] =	stream.indirect_vreg.scatter [tilespmem:s30], [sflag:$0x1], $0x80, v15, vm0, $0xb8;
	[tilespmem:$0x10100] =	vst v63  }
0xe1: {  	_ = 	snop  }
0xe2: {  	[hbm4b:s7+s3] =	stream.indirect_vreg.scatter [tilespmem:s31], [sflag:$0x1], $0x80, v15, vm0, $0xb8;
	[tilespmem:$0x10100] =	vst v63  }
0xe3: {  	_ = 	snop  }
0xe4: {  	[hbm4b:s2+s3] =	stream.indirect_vreg.scatter [tilespmem:s0], [sflag:$0x1], $0x80, v14, vm0, $0xb8;
	[tilespmem:$0x10100] =	vst v63  }
0xe5: {  	s0 =	simm.s32 $0x2900  }
0xe6: {  	[hbm4b:s5+s3] =	stream.indirect_vreg.scatter [tilespmem:s0], [sflag:$0x1], $0x80, v14, vm0, $0xb8;
	[tilespmem:$0x10100] =	vst v63  }
0xe7: {  	s0 =	simm.s32 $0x3100  }
0xe8: {  	[hbm4b:s6+s3] =	stream.indirect_vreg.scatter [tilespmem:s0], [sflag:$0x1], $0x80, v14, vm0, $0xb8;
	[tilespmem:$0x10100] =	vst v63  }
0xe9: {  	s0 =	simm.s32 $0x3900  }
0xea: {  	[hbm4b:s7+s3] =	stream.indirect_vreg.scatter [tilespmem:s0], [sflag:$0x1], $0x80, v14, vm0, $0xb8;
	[tilespmem:$0x10100] =	vst v63  }
0xeb: {  	v14 =	vld [tilespmem:$0x90];
	_ =	sdelay $0x4  }
0xec: {  	v15 =	vshll.u32 v14, $0x3  }
0xed: {  	v14 =	vand.u32 $0x7, v14;
	v15 =	vand.u32 $0xFFFFFFC0, v15  }
0xee: {  	v14 =	vor.u32 v14, v15  }
0xef: {  	v15 =	vperm.xlane v14, v6;
	_ =	sdelay $0x1  }
0xf0: {  	v15 =	vadd.s32 v8, v15;
	_ =	sdelay $0x3  }
0xf1: {  	s0 =	simm.s32 $0x4100  }
0xf2: {  	[hbm4b:s2+s3] =	stream.indirect_vreg.scatter [tilespmem:s0], [sflag:$0x1], $0x80, v15, vm0, $0xb8;
	[tilespmem:$0x10100] =	vst v63  }
0xf3: {  	v14 =	vperm.xlane v14, v7;
	s0 =	simm.s32 $0x4900  }
0xf4: {  	[hbm4b:s5+s3] =	stream.indirect_vreg.scatter [tilespmem:s0], [sflag:$0x1], $0x80, v15, vm0, $0xb8;
	[tilespmem:$0x10100] =	vst v63  }
0xf5: {  	v14 =	vadd.s32 v8, v14;
	s0 =	simm.s32 $0x5100  }
0xf6: {  	[hbm4b:s6+s3] =	stream.indirect_vreg.scatter [tilespmem:s0], [sflag:$0x1], $0x80, v15, vm0, $0xb8;
	[tilespmem:$0x10100] =	vst v63  }
0xf7: {  	s0 =	simm.s32 $0x5900  }
0xf8: {  	[hbm4b:s7+s3] =	stream.indirect_vreg.scatter [tilespmem:s0], [sflag:$0x1], $0x80, v15, vm0, $0xb8;
	[tilespmem:$0x10100] =	vst v63  }
0xf9: {  	s0 =	simm.s32 $0x6100  }
0xfa: {  	[hbm4b:s2+s3] =	stream.indirect_vreg.scatter [tilespmem:s0], [sflag:$0x1], $0x80, v14, vm0, $0xb8;
	[tilespmem:$0x10100] =	vst v63  }
0xfb: {  	_ = 	snop  }
0xfc: {  	[hbm4b:s5+s3] =	stream.indirect_vreg.scatter [tilespmem:s21], [sflag:$0x1], $0x80, v14, vm0, $0xb8;
	[tilespmem:$0x10100] =	vst v63  }
0xfd: {  	_ = 	snop  }
0xfe: {  	[hbm4b:s6+s3] =	stream.indirect_vreg.scatter [tilespmem:s22], [sflag:$0x1], $0x80, v14, vm0, $0xb8;
	[tilespmem:$0x10100] =	vst v63  }
0xff: {  	_ = 	snop  }
0x100: {  	[hbm4b:s7+s3] =	stream.indirect_vreg.scatter [tilespmem:s23], [sflag:$0x1], $0x80, v14, vm0, $0xb8;
	[tilespmem:$0x10100] =	vst v63  }
0x101: {  	v14 =	vld [tilespmem:$0xA0];
	_ =	sdelay $0x4  }
0x102: {  	v15 =	vshll.u32 v14, $0x3  }
0x103: {  	v14 =	vand.u32 $0x7, v14;
	v15 =	vand.u32 $0xFFFFFFC0, v15  }
0x104: {  	v14 =	vor.u32 v14, v15  }
0x105: {  	v15 =	vperm.xlane v14, v6;
	_ =	sdelay $0x1  }
0x106: {  	v15 =	vadd.s32 v8, v15;
	_ =	sdelay $0x4  }
0x107: {  	[hbm4b:s2+s3] =	stream.indirect_vreg.scatter [tilespmem:s24], [sflag:$0x1], $0x80, v15, vm0, $0xb8;
	[tilespmem:$0x10100] =	vst v63  }
0x108: {  	v14 =	vperm.xlane v14, v7  }
0x109: {  	[hbm4b:s5+s3] =	stream.indirect_vreg.scatter [tilespmem:s25], [sflag:$0x1], $0x80, v15, vm0, $0xb8;
	[tilespmem:$0x10100] =	vst v63  }
0x10a: {  	s0 =	simm.s32 $0x9100;
	v14 =	vadd.s32 v8, v14  }
0x10b: {  	[hbm4b:s6+s3] =	stream.indirect_vreg.scatter [tilespmem:s0], [sflag:$0x1], $0x80, v15, vm0, $0xb8;
	[tilespmem:$0x10100] =	vst v63  }
0x10c: {  	_ = 	snop  }
0x10d: {  	[hbm4b:s7+s3] =	stream.indirect_vreg.scatter [tilespmem:s28], [sflag:$0x1], $0x80, v15, vm0, $0xb8;
	[tilespmem:$0x10100] =	vst v63  }
0x10e: {  	_ = 	snop  }
0x10f: {  	[hbm4b:s2+s3] =	stream.indirect_vreg.scatter [tilespmem:s1], [sflag:$0x1], $0x80, v14, vm0, $0xb8;
	[tilespmem:$0x10100] =	vst v63  }
0x110: {  	_ = 	snop  }
0x111: {  	[hbm4b:s5+s3] =	stream.indirect_vreg.scatter [tilespmem:s12], [sflag:$0x1], $0x80, v14, vm0, $0xb8;
	[tilespmem:$0x10100] =	vst v63  }
0x112: {  	_ = 	snop  }
0x113: {  	[hbm4b:s6+s3] =	stream.indirect_vreg.scatter [tilespmem:s13], [sflag:$0x1], $0x80, v14, vm0, $0xb8;
	[tilespmem:$0x10100] =	vst v63  }
0x114: {  	s12 =	simm.s32 $0xB900  }
0x115: {  	[hbm4b:s7+s3] =	stream.indirect_vreg.scatter [tilespmem:s12], [sflag:$0x1], $0x80, v14, vm0, $0xb8;
	[tilespmem:$0x10100] =	vst v63  }
0x116: {  	v14 =	vld [tilespmem:$0xB0];
	_ =	sdelay $0x4  }
0x117: {  	v15 =	vshll.u32 v14, $0x3  }
0x118: {  	v14 =	vand.u32 $0x7, v14;
	v15 =	vand.u32 $0xFFFFFFC0, v15  }
0x119: {  	v14 =	vor.u32 v14, v15  }
0x11a: {  	v15 =	vperm.xlane v14, v6;
	_ =	sdelay $0x1  }
0x11b: {  	v15 =	vadd.s32 v8, v15;
	_ =	sdelay $0x3  }
0x11c: {  	s13 =	simm.s32 $0xC100  }
0x11d: {  	[hbm4b:s2+s3] =	stream.indirect_vreg.scatter [tilespmem:s13], [sflag:$0x1], $0x80, v15, vm0, $0xb8;
	[tilespmem:$0x10100] =	vst v63  }
0x11e: {  	s28 =	simm.s32 $0xC900;
	v14 =	vperm.xlane v14, v7  }
0x11f: {  	[hbm4b:s5+s3] =	stream.indirect_vreg.scatter [tilespmem:s28], [sflag:$0x1], $0x80, v15, vm0, $0xb8;
	[tilespmem:$0x10100] =	vst v63  }
0x120: {  	v14 =	vadd.s32 v8, v14  }
0x121: {  	[hbm4b:s6+s3] =	stream.indirect_vreg.scatter [tilespmem:s14], [sflag:$0x1], $0x80, v15, vm0, $0xb8;
	[tilespmem:$0x10100] =	vst v63  }
0x122: {  	_ = 	snop  }
0x123: {  	[hbm4b:s7+s3] =	stream.indirect_vreg.scatter [tilespmem:s15], [sflag:$0x1], $0x80, v15, vm0, $0xb8;
	[tilespmem:$0x10100] =	vst v63  }
0x124: {  	_ = 	snop  }
0x125: {  	[hbm4b:s2+s3] =	stream.indirect_vreg.scatter [tilespmem:s16], [sflag:$0x1], $0x80, v14, vm0, $0xb8;
	[tilespmem:$0x10100] =	vst v63  }
0x126: {  	_ = 	snop  }
0x127: {  	[hbm4b:s5+s3] =	stream.indirect_vreg.scatter [tilespmem:s17], [sflag:$0x1], $0x80, v14, vm0, $0xb8;
	[tilespmem:$0x10100] =	vst v63  }
0x128: {  	p0 =	sne.s32 s11, $0x1  }
0x129: {  	[hbm4b:s6+s3] =	stream.indirect_vreg.scatter [tilespmem:s18], [sflag:$0x1], $0x80, v14, vm0, $0xb8;
	[tilespmem:$0x10100] =	vst v63  }
.Ltmp0:
0x12a: {  	_ = 	snop;
	(pc) =	sbr.rel @p0 .LBB2_1-.Ltmp0, $4  }
0x12b: {  	[hbm4b:s7+s3] =	stream.indirect_vreg.scatter [tilespmem:s19], [sflag:$0x1], $0x80, v14, vm0, $0xb8;
	[tilespmem:$0x10100] =	vst v63  }
0x12c: {  	_ =	swait.ge [sflag:s26], $0x10000  }
0x12d: {  	[sflag:s26] =	ssyncset.done $0x0  }
0x12e: {  	s11 =	sadd.s32 $0xFFFFFFFF, s11;
	[sflag:s26] =	ssyncadd.s32 $0xFFFF0000  }
0x12f: {  	_ =	sfence.sel $0x180000  }
0x130: {  	[bflag:$0x0] =	sbarrier.arrive $0xFFFF  }
0x131: {  	_ =	strace $0x90000047  }
0x132: {  	s0 =	stileid.u32;
	[bflag:$0x2] =	sbarrier.arrive $0xFFFF  }
0x133: {  	p0 =	sne.s32 s0, $0x0;
	s0 =	rddreg [dreg:$0x2]  }
0x134: {  	s0 =	sadd.s32 @!p0 $0x100000, s0  }
0x135: {  	[sflag:s0] =	ssyncadd.tile.s32 @!p0 $0x1;
	_ =	shalt  }
.Lfunc_end2:
_tile_overlayer_lowered:
.L_overlay_start_2:
0x136: {  	(tag) =	ssettag $0x2  }
0x137: {  	s0 =	rddreg [dreg:$0x0];
	s2 =	stileid.u32  }
0x138: {  	s1 =	rddreg [dreg:$0x1];
	p0 =	sne.s32 s2, $0x0  }
0x139: {  	s3 =	rddreg [dreg:$0x2];
	[bflag:$0x3] =	sbarrier.arrive $0xFFFF;
	s2 =	simm.s32 @!p0 $0x1C02  }
0x13a: {  	[timem:s3], [sflag:s2] =	dma.local @!p0 [hbm:s0], s1  }
0x13b: {  	s0 =	simm.s32 @!p0 $0x2  }
0x13c: {  	_ =	swait.ge @!p0 [sflag:s0], s1  }
0x13d: {  	s1 =	ssub.s32 @!p0 $0x0, s1;
	[sflag:s0] =	ssyncset.done @!p0 $0x0  }
0x13e: {  	[sflag:s0] =	ssyncadd.s32 @!p0 s1  }
0x13f: {  	[bflag:$0x3] =	sbarrier.arrive $0xFFFF  }
0x140: {  	_ =	shalt  }

</sc_bundles>
